<compile_context>
chip_gen: v7x
topology: tpu7x:2x2x1
jax: 0.10.2.dev20260603
libtpu: 0.0.44.dev20260713+nightly
codegen_flags: <defaults>
</compile_context>

<pallas_src>
import jax
import jax.numpy as jnp
from jax import lax
from jax.experimental import pallas as pl
from jax.experimental.pallas import tpu as pltpu
from jax.experimental.pallas import tpu_sc as plsc

_NC = 2
_NS = 16
_NW = _NC * _NS

_D = 32
_BATCH = 16384
_NPOS = 100
_W = _BATCH // _NW
_L = 16


def _gather_kernel(table_hbm, idx_hbm, out_hbm, *scratch):
    idxs = scratch[0:4]
    rows = scratch[4:8]
    valst = scratch[8:10]
    isem = scratch[10:14]
    gsem = scratch[14:18]
    wsem = scratch[18:20]
    skew = scratch[20]

    wid = lax.axis_index("s") * _NC + lax.axis_index("c")
    b0 = wid * _W

    def idx_copy(p, b):
        return pltpu.make_async_copy(
            idx_hbm.at[p, pl.ds(b0, _W)], idxs[b], isem[b])

    def gather(b):
        return pltpu.make_async_copy(table_hbm.at[idxs[b]], rows[b], gsem[b])

    tcb = wid * (_W // 128)

    def out_copy(p, s):
        return pltpu.make_async_copy(
            valst[s], out_hbm.at[p, :, pl.ds(tcb, _W // 128), :, :], wsem[s])

    iota = lax.iota(jnp.int32, _L)

    for b in range(4):
        idx_copy(b, b).start()
    for b in range(3):
        idx_copy(b, b).wait()
        gather(b).start()

    @pl.loop(0, _NPOS, step=4)
    def _quad(p0):
        for k in range(4):
            p = p0 + k
            s = k % 2

            gather(k).wait()

            @pl.when(p + 4 < _NPOS)
            def _():
                idx_copy(p + 4, k).start()

            @pl.when(p + 3 < _NPOS)
            def _():
                idx_copy(p + 3, (k + 3) % 4).wait()
                gather((k + 3) % 4).start()

            if k < 2:
                @pl.when(p0 >= 4)
                def _():
                    out_copy(p - 2, s).wait()
            else:
                out_copy(p - 2, s).wait()

            @plsc.parallel_loop(0, _W, 1, unroll=8)
            def _skew(b):
                for h in range(2):
                    skew[pl.ds(b * 33 + h * _L, _L)] = (
                        rows[k][b, pl.ds(h * _L, _L)])

            @plsc.parallel_loop(0, _W, _L, unroll=2)
            def _blk(bb):
                ridx33 = (bb + iota) * 33
                tcl = bb // 128
                cc0 = bb % 128
                for c in range(_D):
                    v = plsc.load_gather(skew, [ridx33 + c])
                    valst[s][c // 8, tcl, c % 8, pl.ds(cc0, _L)] = v

            out_copy(p, s).start()

    for s in range(2):
        out_copy(_NPOS - 2 + s, s).wait()


_ROWS = 1_000_000
_FULL = 999_936
_NCOLS = _FULL // 128
_TAIL = _ROWS - _FULL


def _convert_kernel(embt_hbm, tail_hbm, out_hbm, *scratch):
    blk = scratch[0:2]
    vals = scratch[2:4]
    lsem = scratch[4:6]
    wsem = scratch[6:8]
    tailv = scratch[8]
    tailt = scratch[9]
    bskew = scratch[10]

    wid = lax.axis_index("s") * _NC + lax.axis_index("c")
    base = wid * 244 + jnp.minimum(wid, 4)
    iota = lax.iota(jnp.int32, _L)

    def load(j, s):
        return pltpu.make_async_copy(
            embt_hbm.at[:, pl.ds((base + j) * 128, 128)], blk[s], lsem[s])

    def store(j, s):
        return pltpu.make_async_copy(
            vals[s], out_hbm.at[pl.ds((base + j) * 128 * _D, 128 * _D)],
            wsem[s])

    rconst = [(h * _L + iota) * 133 for h in range(2)]

    def transpose(s):
        @plsc.parallel_loop(0, _D, 1, unroll=4)
        def _c(c):
            for q in range(8):
                bskew[pl.ds(c * 133 + q * _L, _L)] = (
                    blk[s][c, pl.ds(q * _L, _L)])

        @plsc.parallel_loop(0, 128, 1, unroll=4)
        def _cc(cc):
            for h in range(2):
                v = plsc.load_gather(bskew, [rconst[h] + cc])
                vals[s][pl.ds(cc * _D + h * _L, _L)] = v

    for s in range(2):
        load(s, s).start()

    @pl.loop(0, 244, step=2)
    def _pairs(j0):
        for s in range(2):
            j = j0 + s
            load(j, s).wait()

            @pl.when(j0 >= 2)
            def _():
                store(j - 2, s).wait()

            transpose(s)

            @pl.when(j0 + 4 <= 244)
            def _():
                load(j + 2, s).start()

            store(j, s).start()

    for s in range(2):
        store(242 + s, s).wait()

    @pl.when(wid < 4)
    def _():
        pltpu.sync_copy(
            embt_hbm.at[:, pl.ds((base + 244) * 128, 128)], blk[0])
        transpose(0)
        pltpu.sync_copy(
            vals[0], out_hbm.at[pl.ds((base + 244) * 128 * _D, 128 * _D)])

    @pl.when(wid == 31)
    def _():
        pltpu.sync_copy(tail_hbm, tailv)

        @plsc.parallel_loop(0, _TAIL, 1, unroll=4)
        def _rr(rr):
            for h in range(2):
                v = plsc.load_gather(
                    tailv, [(h * _L + iota) * _TAIL + rr])
                tailt[pl.ds(rr * _D + h * _L, _L)] = v
        pltpu.sync_copy(tailt, out_hbm.at[pl.ds(_FULL * _D, _TAIL * _D)])


@jax.jit
def _convert(embt, tail_flat):
    mesh = plsc.VectorSubcoreMesh(
        core_axis_name="c", subcore_axis_name="s",
        num_cores=_NC, num_subcores=_NS)
    return pl.kernel(
        _convert_kernel,
        out_type=jax.ShapeDtypeStruct((_ROWS * _D,), jnp.float32),
        mesh=mesh,
        scratch_types=(
            [pltpu.VMEM((_D, 128), jnp.float32) for _ in range(2)]
            + [pltpu.VMEM((128 * _D,), jnp.float32) for _ in range(2)]
            + [pltpu.SemaphoreType.DMA for _ in range(4)]
            + [pltpu.VMEM((_TAIL * _D,), jnp.float32),
               pltpu.VMEM((_TAIL * _D,), jnp.float32),
               pltpu.VMEM((_D * 133,), jnp.float32)]
        ),
        compiler_params=pltpu.CompilerParams(
            use_tc_tiling_on_sc=True, needs_layout_passes=False),
    )(embt, tail_flat)


@jax.jit
def _lookup(embed, idx_t):
    mesh = plsc.VectorSubcoreMesh(
        core_axis_name="c", subcore_axis_name="s",
        num_cores=_NC, num_subcores=_NS)
    return pl.kernel(
        _gather_kernel,
        out_type=jax.ShapeDtypeStruct(
            (_NPOS, _D // 8, _BATCH // 128, 8, 128), jnp.float32),
        mesh=mesh,
        scratch_types=(
            [pltpu.VMEM((_W,), jnp.int32) for _ in range(4)]
            + [pltpu.VMEM((_W, _D), jnp.float32) for _ in range(4)]
            + [pltpu.VMEM((_D // 8, _W // 128, 8, 128), jnp.float32)
               for _ in range(2)]
            + [pltpu.SemaphoreType.DMA for _ in range(10)]
            + [pltpu.VMEM((_W * 33,), jnp.float32)]
        ),
        compiler_params=pltpu.CompilerParams(
            use_tc_tiling_on_sc=False, needs_layout_passes=False),
    )(embed, idx_t)


def kernel(embed, indices):
    idx_t = jnp.swapaxes(indices, 0, 1).astype(jnp.int32)
    tail_flat = embed[_FULL:].T.reshape(-1)
    table_rm = _convert(embed.T, tail_flat).reshape(_ROWS, _D)
    out5 = _lookup(table_rm, idx_t)
    out3 = out5.transpose(0, 1, 3, 2, 4).reshape(_NPOS, _D, _BATCH)
    return out3.transpose(2, 0, 1)

# --- scband reference (transcript-rebuilt; emitter-appended) ---
"""Pipeline reference for scband-embedding-lookup-26268019982632 (READ-ONLY COPY).

The authoritative reference and input builder live on the scoring server;
editing this copy changes nothing except your own understanding.
"""

import jax, jax.numpy as jnp
import numpy as np


def setup_inputs(seed: int = 0) -> dict:
    key = jax.random.key(seed)
    k1, k2 = jax.random.split(key)
    embed = jax.random.normal(k1, (1000000, 32), dtype=jnp.float32)
    indices = jax.random.randint(k2, (16384, 100), 0, 1000000, dtype=jnp.int64)
    return {"embed": embed, "indices": indices}


def reference(embed, indices):
    # tf.cast(inputs, tf.int32) then tf.nn.embedding_lookup(embed, inputs)
    idx = indices.astype(jnp.int32)
    return jnp.take(embed, idx, axis=0)

if __name__ == "__main__":
    import jax
    _d = setup_inputs()
    print(jax.jit(kernel)(*tuple(_d.values())))

</pallas_src>

<mosaic_0001>
#map = affine_map<(d0, d1) -> (0, 0)>
#map1 = affine_map<(d0, d1) -> (0)>
module attributes {stable_mosaic.version = 14 : i64} {
  func.func @_convert_kernel(%arg0: i32, %arg1: i32, %arg2: memref<32x1000000xf32, #tpu.memory_space<hbm>>, %arg3: memref<2048xf32, #tpu.memory_space<hbm>>, %arg4: memref<32000000xf32, #tpu.memory_space<hbm>>, %arg5: memref<32x128xf32, #tpu.memory_space<vmem>>, %arg6: memref<32x128xf32, #tpu.memory_space<vmem>>, %arg7: memref<4096xf32, #tpu.memory_space<vmem>>, %arg8: memref<4096xf32, #tpu.memory_space<vmem>>, %arg9: memref<!tpu.dma_semaphore, #tpu.memory_space<semaphore_mem>>, %arg10: memref<!tpu.dma_semaphore, #tpu.memory_space<semaphore_mem>>, %arg11: memref<!tpu.dma_semaphore, #tpu.memory_space<semaphore_mem>>, %arg12: memref<!tpu.dma_semaphore, #tpu.memory_space<semaphore_mem>>, %arg13: memref<2048xf32, #tpu.memory_space<vmem>>, %arg14: memref<2048xf32, #tpu.memory_space<vmem>>, %arg15: memref<4256xf32, #tpu.memory_space<vmem>>) attributes {dimension_semantics = [#tpu.dimension_semantics<core_parallel>, #tpu.dimension_semantics<subcore_parallel>], iteration_bounds = array<i64: 2, 16>, scalar_prefetch = 0 : i64, scratch_operands = 11 : i64, tpu.core_type = #tpu.core_type<sc_vector_subcore>, window_params = [{transform_indices = #map}, {transform_indices = #map1}, {transform_indices = #map1}]} {
    %mul3A = arith.constant 2 : i32
    %mul3A_0 = arith.muli %arg1, %mul3A : i32
    %add3A = arith.addi %mul3A_0, %arg0 : i32
    %mul3A_1 = arith.constant 244 : i32
    %mul3A_2 = arith.muli %add3A, %mul3A_1 : i32
    %min3A = arith.constant 4 : i32
    %min3A_3 = arith.minsi %add3A, %min3A : i32
    %add3A_4 = arith.addi %mul3A_2, %min3A_3 : i32
    %iota3A = tpu.iota {dimensions = array<i32: 0>} : vector<16xi32>
    %add3A_5 = arith.constant 0 : i32
    %add3A_6 = vector.broadcast %add3A_5 : i32 to vector<16xi32>
    %add3A_7 = arith.addi %add3A_6, %iota3A : vector<16xi32>
    %mul3A_8 = arith.constant 133 : i32
    %mul3A_9 = vector.broadcast %mul3A_8 : i32 to vector<16xi32>
    %mul3A_10 = arith.muli %add3A_7, %mul3A_9 : vector<16xi32>
    %add3A_11 = arith.constant 16 : i32
    %add3A_12 = vector.broadcast %add3A_11 : i32 to vector<16xi32>
    %add3A_13 = arith.addi %add3A_12, %iota3A : vector<16xi32>
    %mul3A_14 = arith.constant 133 : i32
    %mul3A_15 = vector.broadcast %mul3A_14 : i32 to vector<16xi32>
    %mul3A_16 = arith.muli %add3A_13, %mul3A_15 : vector<16xi32>
    %add3A_17 = arith.constant 0 : i32
    %add3A_18 = arith.addi %add3A_4, %add3A_17 : i32
    %mul3A_19 = arith.constant 128 : i32
    %mul3A_20 = arith.muli %add3A_18, %mul3A_19 : i32
    %dma_start3A = arith.constant 0 : i32
    %dma_start3A_21 = tpu.memref_slice %arg2[%dma_start3A, %mul3A_20] : memref<32x1000000xf32, #tpu.memory_space<hbm>> -> memref<32x128xf32, #tpu.memory_space<hbm>>
    %dma_start3A_22 = arith.constant 0 : i32
    %dma_start3A_23 = tpu.memref_slice %arg2[%dma_start3A_22, %mul3A_20] : memref<32x1000000xf32, #tpu.memory_space<hbm>> -> memref<32x128xf32, #tpu.memory_space<hbm>>
    tpu.enqueue_dma source(%dma_start3A_23 : memref<32x128xf32, #tpu.memory_space<hbm>>) target(%arg5 : memref<32x128xf32, #tpu.memory_space<vmem>>) target_semaphore(%arg9 : memref<!tpu.dma_semaphore, #tpu.memory_space<semaphore_mem>>)
    %add3A_24 = arith.constant 1 : i32
    %add3A_25 = arith.addi %add3A_4, %add3A_24 : i32
    %mul3A_26 = arith.constant 128 : i32
    %mul3A_27 = arith.muli %add3A_25, %mul3A_26 : i32
    %dma_start3A_28 = arith.constant 0 : i32
    %dma_start3A_29 = tpu.memref_slice %arg2[%dma_start3A_28, %mul3A_27] : memref<32x1000000xf32, #tpu.memory_space<hbm>> -> memref<32x128xf32, #tpu.memory_space<hbm>>
    %dma_start3A_30 = arith.constant 0 : i32
    %dma_start3A_31 = tpu.memref_slice %arg2[%dma_start3A_30, %mul3A_27] : memref<32x1000000xf32, #tpu.memory_space<hbm>> -> memref<32x128xf32, #tpu.memory_space<hbm>>
    tpu.enqueue_dma source(%dma_start3A_31 : memref<32x128xf32, #tpu.memory_space<hbm>>) target(%arg6 : memref<32x128xf32, #tpu.memory_space<vmem>>) target_semaphore(%arg10 : memref<!tpu.dma_semaphore, #tpu.memory_space<semaphore_mem>>)
    %scan3A = arith.constant 0 : i32
    %scan3A_32 = arith.constant 122 : i32
    %scan3A_33 = arith.addi %scan3A, %scan3A_32 : i32
    %scan3A_34 = arith.constant 1 : i32
    scf.for %scan3A_57 = %scan3A to %scan3A_33 step %scan3A_34  : i32 {
      %mul3A_58 = arith.constant 2 : i32
      %mul3A_59 = arith.muli %scan3A_57, %mul3A_58 : i32
      %add3A_60 = arith.constant 0 : i32
      %add3A_61 = arith.addi %add3A_60, %mul3A_59 : i32
      %add3A_62 = arith.constant 0 : i32
      %add3A_63 = arith.addi %add3A_61, %add3A_62 : i32
      %add3A_64 = arith.addi %add3A_4, %add3A_63 : i32
      %mul3A_65 = arith.constant 128 : i32
      %mul3A_66 = arith.muli %add3A_64, %mul3A_65 : i32
      %dma_wait3A_67 = arith.constant 0 : i32
      %dma_wait3A_68 = tpu.memref_slice %arg2[%dma_wait3A_67, %mul3A_66] : memref<32x1000000xf32, #tpu.memory_space<hbm>> -> memref<32x128xf32, #tpu.memory_space<hbm>>
      %dma_wait3A_69 = arith.constant 0 : i32
      %dma_wait3A_70 = tpu.memref_slice %arg2[%dma_wait3A_69, %mul3A_66] : memref<32x1000000xf32, #tpu.memory_space<hbm>> -> memref<32x128xf32, #tpu.memory_space<hbm>>
      tpu.wait_dma2 semaphore(%arg9 : memref<!tpu.dma_semaphore, #tpu.memory_space<semaphore_mem>>) src(%dma_wait3A_70 : memref<32x128xf32, #tpu.memory_space<hbm>>) dst(%arg5 : memref<32x128xf32, #tpu.memory_space<vmem>>)
      %ge3A = arith.constant 2 : i32
      %ge3A_71 = arith.cmpi sge, %add3A_61, %ge3A : i32
      %convert_element_type3A_72 = arith.extui %ge3A_71 : i1 to i32
      %cond3A_73 = arith.constant 0 : i32
      %cond3A_74 = arith.cmpi ne, %convert_element_type3A_72, %cond3A_73 : i32
      scf.if %cond3A_74 {
        %sub3A = arith.constant 2 : i32
        %sub3A_127 = arith.subi %add3A_63, %sub3A : i32
        %add3A_128 = arith.addi %add3A_4, %sub3A_127 : i32
        %mul3A_129 = arith.constant 128 : i32
        %mul3A_130 = arith.muli %add3A_128, %mul3A_129 : i32
        %mul3A_131 = arith.constant 32 : i32
        %mul3A_132 = arith.muli %mul3A_130, %mul3A_131 : i32
        %dma_wait3A_133 = tpu.memref_slice %arg4[%mul3A_132] : memref<32000000xf32, #tpu.memory_space<hbm>> -> memref<4096xf32, #tpu.memory_space<hbm>>
        %dma_wait3A_134 = tpu.memref_slice %arg4[%mul3A_132] : memref<32000000xf32, #tpu.memory_space<hbm>> -> memref<4096xf32, #tpu.memory_space<hbm>>
        tpu.wait_dma2 semaphore(%arg11 : memref<!tpu.dma_semaphore, #tpu.memory_space<semaphore_mem>>) src(%arg7 : memref<4096xf32, #tpu.memory_space<vmem>>) dst(%dma_wait3A_134 : memref<4096xf32, #tpu.memory_space<hbm>>)
      } else {
      }
      %parallel_loop3A = arith.constant 0 : i32
      %parallel_loop3A_75 = arith.constant 32 : i32
      %parallel_loop3A_76 = arith.constant 1 : i32
      scf.for %parallel_loop3A_127 = %parallel_loop3A to %parallel_loop3A_75 step %parallel_loop3A_76  : i32 {
        %parallel_loop3A_128 = arith.index_cast %parallel_loop3A_127 : i32 to index
        %parallel_loop3A_129 = arith.constant 0 : index
        %parallel_loop3A_130 = tpu.vector_load %arg5[%parallel_loop3A_128, %parallel_loop3A_129] {strides = array<i32>} : memref<32x128xf32, #tpu.memory_space<vmem>>, vector<16xf32>,
        %parallel_loop3A_131 = arith.constant 133 : i32
        %parallel_loop3A_132 = arith.muli %parallel_loop3A_127, %parallel_loop3A_131 : i32
        %parallel_loop3A_133 = arith.constant 0 : i32
        %parallel_loop3A_134 = arith.addi %parallel_loop3A_132, %parallel_loop3A_133 : i32
        %parallel_loop3A_135 = arith.index_cast %parallel_loop3A_134 : i32 to index
        %parallel_loop3A_136 = tpu.vector_load %arg15[%parallel_loop3A_135] {strides = array<i32>} : memref<4256xf32, #tpu.memory_space<vmem>>, vector<16xf32>,
        tpu.vector_store %arg15[%parallel_loop3A_135], %parallel_loop3A_130 {strides = array<i32>} : memref<4256xf32, #tpu.memory_space<vmem>>, vector<16xf32>,
        %parallel_loop3A_137 = arith.index_cast %parallel_loop3A_127 : i32 to index
        %parallel_loop3A_138 = arith.constant 16 : index
        %parallel_loop3A_139 = tpu.vector_load %arg5[%parallel_loop3A_137, %parallel_loop3A_138] {strides = array<i32>} : memref<32x128xf32, #tpu.memory_space<vmem>>, vector<16xf32>,
        %parallel_loop3A_140 = arith.constant 133 : i32
        %parallel_loop3A_141 = arith.muli %parallel_loop3A_127, %parallel_loop3A_140 : i32
        %parallel_loop3A_142 = arith.constant 16 : i32
        %parallel_loop3A_143 = arith.addi %parallel_loop3A_141, %parallel_loop3A_142 : i32
        %parallel_loop3A_144 = arith.index_cast %parallel_loop3A_143 : i32 to index
        %parallel_loop3A_145 = tpu.vector_load %arg15[%parallel_loop3A_144] {strides = array<i32>} : memref<4256xf32, #tpu.memory_space<vmem>>, vector<16xf32>,
        tpu.vector_store %arg15[%parallel_loop3A_144], %parallel_loop3A_139 {strides = array<i32>} : memref<4256xf32, #tpu.memory_space<vmem>>, vector<16xf32>,
        %parallel_loop3A_146 = arith.index_cast %parallel_loop3A_127 : i32 to index
        %parallel_loop3A_147 = arith.constant 32 : index
        %parallel_loop3A_148 = tpu.vector_load %arg5[%parallel_loop3A_146, %parallel_loop3A_147] {strides = array<i32>} : memref<32x128xf32, #tpu.memory_space<vmem>>, vector<16xf32>,
        %parallel_loop3A_149 = arith.constant 133 : i32
        %parallel_loop3A_150 = arith.muli %parallel_loop3A_127, %parallel_loop3A_149 : i32
        %parallel_loop3A_151 = arith.constant 32 : i32
        %parallel_loop3A_152 = arith.addi %parallel_loop3A_150, %parallel_loop3A_151 : i32
        %parallel_loop3A_153 = arith.index_cast %parallel_loop3A_152 : i32 to index
        %parallel_loop3A_154 = tpu.vector_load %arg15[%parallel_loop3A_153] {strides = array<i32>} : memref<4256xf32, #tpu.memory_space<vmem>>, vector<16xf32>,
        tpu.vector_store %arg15[%parallel_loop3A_153], %parallel_loop3A_148 {strides = array<i32>} : memref<4256xf32, #tpu.memory_space<vmem>>, vector<16xf32>,
        %parallel_loop3A_155 = arith.index_cast %parallel_loop3A_127 : i32 to index
        %parallel_loop3A_156 = arith.constant 48 : index
        %parallel_loop3A_157 = tpu.vector_load %arg5[%parallel_loop3A_155, %parallel_loop3A_156] {strides = array<i32>} : memref<32x128xf32, #tpu.memory_space<vmem>>, vector<16xf32>,
        %parallel_loop3A_158 = arith.constant 133 : i32
        %parallel_loop3A_159 = arith.muli %parallel_loop3A_127, %parallel_loop3A_158 : i32
        %parallel_loop3A_160 = arith.constant 48 : i32
        %parallel_loop3A_161 = arith.addi %parallel_loop3A_159, %parallel_loop3A_160 : i32
        %parallel_loop3A_162 = arith.index_cast %parallel_loop3A_161 : i32 to index
        %parallel_loop3A_163 = tpu.vector_load %arg15[%parallel_loop3A_162] {strides = array<i32>} : memref<4256xf32, #tpu.memory_space<vmem>>, vector<16xf32>,
        tpu.vector_store %arg15[%parallel_loop3A_162], %parallel_loop3A_157 {strides = array<i32>} : memref<4256xf32, #tpu.memory_space<vmem>>, vector<16xf32>,
        %parallel_loop3A_164 = arith.index_cast %parallel_loop3A_127 : i32 to index
        %parallel_loop3A_165 = arith.constant 64 : index
        %parallel_loop3A_166 = tpu.vector_load %arg5[%parallel_loop3A_164, %parallel_loop3A_165] {strides = array<i32>} : memref<32x128xf32, #tpu.memory_space<vmem>>, vector<16xf32>,
        %parallel_loop3A_167 = arith.constant 133 : i32
        %parallel_loop3A_168 = arith.muli %parallel_loop3A_127, %parallel_loop3A_167 : i32
        %parallel_loop3A_169 = arith.constant 64 : i32
        %parallel_loop3A_170 = arith.addi %parallel_loop3A_168, %parallel_loop3A_169 : i32
        %parallel_loop3A_171 = arith.index_cast %parallel_loop3A_170 : i32 to index
        %parallel_loop3A_172 = tpu.vector_load %arg15[%parallel_loop3A_171] {strides = array<i32>} : memref<4256xf32, #tpu.memory_space<vmem>>, vector<16xf32>,
        tpu.vector_store %arg15[%parallel_loop3A_171], %parallel_loop3A_166 {strides = array<i32>} : memref<4256xf32, #tpu.memory_space<vmem>>, vector<16xf32>,
        %parallel_loop3A_173 = arith.index_cast %parallel_loop3A_127 : i32 to index
        %parallel_loop3A_174 = arith.constant 80 : index
        %parallel_loop3A_175 = tpu.vector_load %arg5[%parallel_loop3A_173, %parallel_loop3A_174] {strides = array<i32>} : memref<32x128xf32, #tpu.memory_space<vmem>>, vector<16xf32>,
        %parallel_loop3A_176 = arith.constant 133 : i32
        %parallel_loop3A_177 = arith.muli %parallel_loop3A_127, %parallel_loop3A_176 : i32
        %parallel_loop3A_178 = arith.constant 80 : i32
        %parallel_loop3A_179 = arith.addi %parallel_loop3A_177, %parallel_loop3A_178 : i32
        %parallel_loop3A_180 = arith.index_cast %parallel_loop3A_179 : i32 to index
        %parallel_loop3A_181 = tpu.vector_load %arg15[%parallel_loop3A_180] {strides = array<i32>} : memref<4256xf32, #tpu.memory_space<vmem>>, vector<16xf32>,
        tpu.vector_store %arg15[%parallel_loop3A_180], %parallel_loop3A_175 {strides = array<i32>} : memref<4256xf32, #tpu.memory_space<vmem>>, vector<16xf32>,
        %parallel_loop3A_182 = arith.index_cast %parallel_loop3A_127 : i32 to index
        %parallel_loop3A_183 = arith.constant 96 : index
        %parallel_loop3A_184 = tpu.vector_load %arg5[%parallel_loop3A_182, %parallel_loop3A_183] {strides = array<i32>} : memref<32x128xf32, #tpu.memory_space<vmem>>, vector<16xf32>,
        %parallel_loop3A_185 = arith.constant 133 : i32
        %parallel_loop3A_186 = arith.muli %parallel_loop3A_127, %parallel_loop3A_185 : i32
        %parallel_loop3A_187 = arith.constant 96 : i32
        %parallel_loop3A_188 = arith.addi %parallel_loop3A_186, %parallel_loop3A_187 : i32
        %parallel_loop3A_189 = arith.index_cast %parallel_loop3A_188 : i32 to index
        %parallel_loop3A_190 = tpu.vector_load %arg15[%parallel_loop3A_189] {strides = array<i32>} : memref<4256xf32, #tpu.memory_space<vmem>>, vector<16xf32>,
        tpu.vector_store %arg15[%parallel_loop3A_189], %parallel_loop3A_184 {strides = array<i32>} : memref<4256xf32, #tpu.memory_space<vmem>>, vector<16xf32>,
        %parallel_loop3A_191 = arith.index_cast %parallel_loop3A_127 : i32 to index
        %parallel_loop3A_192 = arith.constant 112 : index
        %parallel_loop3A_193 = tpu.vector_load %arg5[%parallel_loop3A_191, %parallel_loop3A_192] {strides = array<i32>} : memref<32x128xf32, #tpu.memory_space<vmem>>, vector<16xf32>,
        %parallel_loop3A_194 = arith.constant 133 : i32
        %parallel_loop3A_195 = arith.muli %parallel_loop3A_127, %parallel_loop3A_194 : i32
        %parallel_loop3A_196 = arith.constant 112 : i32
        %parallel_loop3A_197 = arith.addi %parallel_loop3A_195, %parallel_loop3A_196 : i32
        %parallel_loop3A_198 = arith.index_cast %parallel_loop3A_197 : i32 to index
        %parallel_loop3A_199 = tpu.vector_load %arg15[%parallel_loop3A_198] {strides = array<i32>} : memref<4256xf32, #tpu.memory_space<vmem>>, vector<16xf32>,
        tpu.vector_store %arg15[%parallel_loop3A_198], %parallel_loop3A_193 {strides = array<i32>} : memref<4256xf32, #tpu.memory_space<vmem>>, vector<16xf32>,
      } {sc.loop_unroll_factor = 4 : i64, sc.parallel_access}
      %parallel_loop3A_77 = arith.constant 0 : i32
      %parallel_loop3A_78 = arith.constant 128 : i32
      %parallel_loop3A_79 = arith.constant 1 : i32
      scf.for %parallel_loop3A_127 = %parallel_loop3A_77 to %parallel_loop3A_78 step %parallel_loop3A_79  : i32 {
        %parallel_loop3A_128 = vector.broadcast %parallel_loop3A_127 : i32 to vector<16xi32>
        %parallel_loop3A_129 = arith.addi %mul3A_10, %parallel_loop3A_128 : vector<16xi32>
        %parallel_loop3A_130 = tpu.vector_load_idx %arg15[%parallel_loop3A_129] : memref<4256xf32, #tpu.memory_space<vmem>>[vector<16xi32>], vector<16xf32>,
        %parallel_loop3A_131 = arith.constant 32 : i32
        %parallel_loop3A_132 = arith.muli %parallel_loop3A_127, %parallel_loop3A_131 : i32
        %parallel_loop3A_133 = arith.constant 0 : i32
        %parallel_loop3A_134 = arith.addi %parallel_loop3A_132, %parallel_loop3A_133 : i32
        %parallel_loop3A_135 = arith.index_cast %parallel_loop3A_134 : i32 to index
        %parallel_loop3A_136 = tpu.vector_load %arg7[%parallel_loop3A_135] {strides = array<i32>} : memref<4096xf32, #tpu.memory_space<vmem>>, vector<16xf32>,
        tpu.vector_store %arg7[%parallel_loop3A_135], %parallel_loop3A_130 {strides = array<i32>} : memref<4096xf32, #tpu.memory_space<vmem>>, vector<16xf32>,
        %parallel_loop3A_137 = vector.broadcast %parallel_loop3A_127 : i32 to vector<16xi32>
        %parallel_loop3A_138 = arith.addi %mul3A_16, %parallel_loop3A_137 : vector<16xi32>
        %parallel_loop3A_139 = tpu.vector_load_idx %arg15[%parallel_loop3A_138] : memref<4256xf32, #tpu.memory_space<vmem>>[vector<16xi32>], vector<16xf32>,
        %parallel_loop3A_140 = arith.constant 32 : i32
        %parallel_loop3A_141 = arith.muli %parallel_loop3A_127, %parallel_loop3A_140 : i32
        %parallel_loop3A_142 = arith.constant 16 : i32
        %parallel_loop3A_143 = arith.addi %parallel_loop3A_141, %parallel_loop3A_142 : i32
        %parallel_loop3A_144 = arith.index_cast %parallel_loop3A_143 : i32 to index
        %parallel_loop3A_145 = tpu.vector_load %arg7[%parallel_loop3A_144] {strides = array<i32>} : memref<4096xf32, #tpu.memory_space<vmem>>, vector<16xf32>,
        tpu.vector_store %arg7[%parallel_loop3A_144], %parallel_loop3A_139 {strides = array<i32>} : memref<4096xf32, #tpu.memory_space<vmem>>, vector<16xf32>,
      } {sc.loop_unroll_factor = 4 : i64, sc.parallel_access}
      %add3A_80 = arith.constant 4 : i32
      %add3A_81 = arith.addi %add3A_61, %add3A_80 : i32
      %le3A = arith.constant 244 : i32
      %le3A_82 = arith.cmpi sle, %add3A_81, %le3A : i32
      %convert_element_type3A_83 = arith.extui %le3A_82 : i1 to i32
      %cond3A_84 = arith.constant 0 : i32
      %cond3A_85 = arith.cmpi ne, %convert_element_type3A_83, %cond3A_84 : i32
      scf.if %cond3A_85 {
        %add3A_127 = arith.constant 2 : i32
        %add3A_128 = arith.addi %add3A_63, %add3A_127 : i32
        %add3A_129 = arith.addi %add3A_4, %add3A_128 : i32
        %mul3A_130 = arith.constant 128 : i32
        %mul3A_131 = arith.muli %add3A_129, %mul3A_130 : i32
        %dma_start3A_132 = arith.constant 0 : i32
        %dma_start3A_133 = tpu.memref_slice %arg2[%dma_start3A_132, %mul3A_131] : memref<32x1000000xf32, #tpu.memory_space<hbm>> -> memref<32x128xf32, #tpu.memory_space<hbm>>
        %dma_start3A_134 = arith.constant 0 : i32
        %dma_start3A_135 = tpu.memref_slice %arg2[%dma_start3A_134, %mul3A_131] : memref<32x1000000xf32, #tpu.memory_space<hbm>> -> memref<32x128xf32, #tpu.memory_space<hbm>>
        tpu.enqueue_dma source(%dma_start3A_135 : memref<32x128xf32, #tpu.memory_space<hbm>>) target(%arg5 : memref<32x128xf32, #tpu.memory_space<vmem>>) target_semaphore(%arg9 : memref<!tpu.dma_semaphore, #tpu.memory_space<semaphore_mem>>)
      } else {
      }
      %add3A_86 = arith.addi %add3A_4, %add3A_63 : i32
      %mul3A_87 = arith.constant 128 : i32
      %mul3A_88 = arith.muli %add3A_86, %mul3A_87 : i32
      %mul3A_89 = arith.constant 32 : i32
      %mul3A_90 = arith.muli %mul3A_88, %mul3A_89 : i32
      %dma_start3A_91 = tpu.memref_slice %arg4[%mul3A_90] : memref<32000000xf32, #tpu.memory_space<hbm>> -> memref<4096xf32, #tpu.memory_space<hbm>>
      %dma_start3A_92 = tpu.memref_slice %arg4[%mul3A_90] : memref<32000000xf32, #tpu.memory_space<hbm>> -> memref<4096xf32, #tpu.memory_space<hbm>>
      tpu.enqueue_dma source(%arg7 : memref<4096xf32, #tpu.memory_space<vmem>>) target(%dma_start3A_92 : memref<4096xf32, #tpu.memory_space<hbm>>) target_semaphore(%arg11 : memref<!tpu.dma_semaphore, #tpu.memory_space<semaphore_mem>>)
      %add3A_93 = arith.constant 1 : i32
      %add3A_94 = arith.addi %add3A_61, %add3A_93 : i32
      %add3A_95 = arith.addi %add3A_4, %add3A_94 : i32
      %mul3A_96 = arith.constant 128 : i32
      %mul3A_97 = arith.muli %add3A_95, %mul3A_96 : i32
      %dma_wait3A_98 = arith.constant 0 : i32
      %dma_wait3A_99 = tpu.memref_slice %arg2[%dma_wait3A_98, %mul3A_97] : memref<32x1000000xf32, #tpu.memory_space<hbm>> -> memref<32x128xf32, #tpu.memory_space<hbm>>
      %dma_wait3A_100 = arith.constant 0 : i32
      %dma_wait3A_101 = tpu.memref_slice %arg2[%dma_wait3A_100, %mul3A_97] : memref<32x1000000xf32, #tpu.memory_space<hbm>> -> memref<32x128xf32, #tpu.memory_space<hbm>>
      tpu.wait_dma2 semaphore(%arg10 : memref<!tpu.dma_semaphore, #tpu.memory_space<semaphore_mem>>) src(%dma_wait3A_101 : memref<32x128xf32, #tpu.memory_space<hbm>>) dst(%arg6 : memref<32x128xf32, #tpu.memory_space<vmem>>)
      %ge3A_102 = arith.constant 2 : i32
      %ge3A_103 = arith.cmpi sge, %add3A_61, %ge3A_102 : i32
      %convert_element_type3A_104 = arith.extui %ge3A_103 : i1 to i32
      %cond3A_105 = arith.constant 0 : i32
      %cond3A_106 = arith.cmpi ne, %convert_element_type3A_104, %cond3A_105 : i32
      scf.if %cond3A_106 {
        %sub3A = arith.constant 2 : i32
        %sub3A_127 = arith.subi %add3A_94, %sub3A : i32
        %add3A_128 = arith.addi %add3A_4, %sub3A_127 : i32
        %mul3A_129 = arith.constant 128 : i32
        %mul3A_130 = arith.muli %add3A_128, %mul3A_129 : i32
        %mul3A_131 = arith.constant 32 : i32
        %mul3A_132 = arith.muli %mul3A_130, %mul3A_131 : i32
        %dma_wait3A_133 = tpu.memref_slice %arg4[%mul3A_132] : memref<32000000xf32, #tpu.memory_space<hbm>> -> memref<4096xf32, #tpu.memory_space<hbm>>
        %dma_wait3A_134 = tpu.memref_slice %arg4[%mul3A_132] : memref<32000000xf32, #tpu.memory_space<hbm>> -> memref<4096xf32, #tpu.memory_space<hbm>>
        tpu.wait_dma2 semaphore(%arg12 : memref<!tpu.dma_semaphore, #tpu.memory_space<semaphore_mem>>) src(%arg8 : memref<4096xf32, #tpu.memory_space<vmem>>) dst(%dma_wait3A_134 : memref<4096xf32, #tpu.memory_space<hbm>>)
      } else {
      }
      %parallel_loop3A_107 = arith.constant 0 : i32
      %parallel_loop3A_108 = arith.constant 32 : i32
      %parallel_loop3A_109 = arith.constant 1 : i32
      scf.for %parallel_loop3A_127 = %parallel_loop3A_107 to %parallel_loop3A_108 step %parallel_loop3A_109  : i32 {
        %parallel_loop3A_128 = arith.index_cast %parallel_loop3A_127 : i32 to index
        %parallel_loop3A_129 = arith.constant 0 : index
        %parallel_loop3A_130 = tpu.vector_load %arg6[%parallel_loop3A_128, %parallel_loop3A_129] {strides = array<i32>} : memref<32x128xf32, #tpu.memory_space<vmem>>, vector<16xf32>,
        %parallel_loop3A_131 = arith.constant 133 : i32
        %parallel_loop3A_132 = arith.muli %parallel_loop3A_127, %parallel_loop3A_131 : i32
        %parallel_loop3A_133 = arith.constant 0 : i32
        %parallel_loop3A_134 = arith.addi %parallel_loop3A_132, %parallel_loop3A_133 : i32
        %parallel_loop3A_135 = arith.index_cast %parallel_loop3A_134 : i32 to index
        %parallel_loop3A_136 = tpu.vector_load %arg15[%parallel_loop3A_135] {strides = array<i32>} : memref<4256xf32, #tpu.memory_space<vmem>>, vector<16xf32>,
        tpu.vector_store %arg15[%parallel_loop3A_135], %parallel_loop3A_130 {strides = array<i32>} : memref<4256xf32, #tpu.memory_space<vmem>>, vector<16xf32>,
        %parallel_loop3A_137 = arith.index_cast %parallel_loop3A_127 : i32 to index
        %parallel_loop3A_138 = arith.constant 16 : index
        %parallel_loop3A_139 = tpu.vector_load %arg6[%parallel_loop3A_137, %parallel_loop3A_138] {strides = array<i32>} : memref<32x128xf32, #tpu.memory_space<vmem>>, vector<16xf32>,
        %parallel_loop3A_140 = arith.constant 133 : i32
        %parallel_loop3A_141 = arith.muli %parallel_loop3A_127, %parallel_loop3A_140 : i32
        %parallel_loop3A_142 = arith.constant 16 : i32
        %parallel_loop3A_143 = arith.addi %parallel_loop3A_141, %parallel_loop3A_142 : i32
        %parallel_loop3A_144 = arith.index_cast %parallel_loop3A_143 : i32 to index
        %parallel_loop3A_145 = tpu.vector_load %arg15[%parallel_loop3A_144] {strides = array<i32>} : memref<4256xf32, #tpu.memory_space<vmem>>, vector<16xf32>,
        tpu.vector_store %arg15[%parallel_loop3A_144], %parallel_loop3A_139 {strides = array<i32>} : memref<4256xf32, #tpu.memory_space<vmem>>, vector<16xf32>,
        %parallel_loop3A_146 = arith.index_cast %parallel_loop3A_127 : i32 to index
        %parallel_loop3A_147 = arith.constant 32 : index
        %parallel_loop3A_148 = tpu.vector_load %arg6[%parallel_loop3A_146, %parallel_loop3A_147] {strides = array<i32>} : memref<32x128xf32, #tpu.memory_space<vmem>>, vector<16xf32>,
        %parallel_loop3A_149 = arith.constant 133 : i32
        %parallel_loop3A_150 = arith.muli %parallel_loop3A_127, %parallel_loop3A_149 : i32
        %parallel_loop3A_151 = arith.constant 32 : i32
        %parallel_loop3A_152 = arith.addi %parallel_loop3A_150, %parallel_loop3A_151 : i32
        %parallel_loop3A_153 = arith.index_cast %parallel_loop3A_152 : i32 to index
        %parallel_loop3A_154 = tpu.vector_load %arg15[%parallel_loop3A_153] {strides = array<i32>} : memref<4256xf32, #tpu.memory_space<vmem>>, vector<16xf32>,
        tpu.vector_store %arg15[%parallel_loop3A_153], %parallel_loop3A_148 {strides = array<i32>} : memref<4256xf32, #tpu.memory_space<vmem>>, vector<16xf32>,
        %parallel_loop3A_155 = arith.index_cast %parallel_loop3A_127 : i32 to index
        %parallel_loop3A_156 = arith.constant 48 : index
        %parallel_loop3A_157 = tpu.vector_load %arg6[%parallel_loop3A_155, %parallel_loop3A_156] {strides = array<i32>} : memref<32x128xf32, #tpu.memory_space<vmem>>, vector<16xf32>,
        %parallel_loop3A_158 = arith.constant 133 : i32
        %parallel_loop3A_159 = arith.muli %parallel_loop3A_127, %parallel_loop3A_158 : i32
        %parallel_loop3A_160 = arith.constant 48 : i32
        %parallel_loop3A_161 = arith.addi %parallel_loop3A_159, %parallel_loop3A_160 : i32
        %parallel_loop3A_162 = arith.index_cast %parallel_loop3A_161 : i32 to index
        %parallel_loop3A_163 = tpu.vector_load %arg15[%parallel_loop3A_162] {strides = array<i32>} : memref<4256xf32, #tpu.memory_space<vmem>>, vector<16xf32>,
        tpu.vector_store %arg15[%parallel_loop3A_162], %parallel_loop3A_157 {strides = array<i32>} : memref<4256xf32, #tpu.memory_space<vmem>>, vector<16xf32>,
        %parallel_loop3A_164 = arith.index_cast %parallel_loop3A_127 : i32 to index
        %parallel_loop3A_165 = arith.constant 64 : index
        %parallel_loop3A_166 = tpu.vector_load %arg6[%parallel_loop3A_164, %parallel_loop3A_165] {strides = array<i32>} : memref<32x128xf32, #tpu.memory_space<vmem>>, vector<16xf32>,
        %parallel_loop3A_167 = arith.constant 133 : i32
        %parallel_loop3A_168 = arith.muli %parallel_loop3A_127, %parallel_loop3A_167 : i32
        %parallel_loop3A_169 = arith.constant 64 : i32
        %parallel_loop3A_170 = arith.addi %parallel_loop3A_168, %parallel_loop3A_169 : i32
        %parallel_loop3A_171 = arith.index_cast %parallel_loop3A_170 : i32 to index
        %parallel_loop3A_172 = tpu.vector_load %arg15[%parallel_loop3A_171] {strides = array<i32>} : memref<4256xf32, #tpu.memory_space<vmem>>, vector<16xf32>,
        tpu.vector_store %arg15[%parallel_loop3A_171], %parallel_loop3A_166 {strides = array<i32>} : memref<4256xf32, #tpu.memory_space<vmem>>, vector<16xf32>,
        %parallel_loop3A_173 = arith.index_cast %parallel_loop3A_127 : i32 to index
        %parallel_loop3A_174 = arith.constant 80 : index
        %parallel_loop3A_175 = tpu.vector_load %arg6[%parallel_loop3A_173, %parallel_loop3A_174] {strides = array<i32>} : memref<32x128xf32, #tpu.memory_space<vmem>>, vector<16xf32>,
        %parallel_loop3A_176 = arith.constant 133 : i32
        %parallel_loop3A_177 = arith.muli %parallel_loop3A_127, %parallel_loop3A_176 : i32
        %parallel_loop3A_178 = arith.constant 80 : i32
        %parallel_loop3A_179 = arith.addi %parallel_loop3A_177, %parallel_loop3A_178 : i32
        %parallel_loop3A_180 = arith.index_cast %parallel_loop3A_179 : i32 to index
        %parallel_loop3A_181 = tpu.vector_load %arg15[%parallel_loop3A_180] {strides = array<i32>} : memref<4256xf32, #tpu.memory_space<vmem>>, vector<16xf32>,
        tpu.vector_store %arg15[%parallel_loop3A_180], %parallel_loop3A_175 {strides = array<i32>} : memref<4256xf32, #tpu.memory_space<vmem>>, vector<16xf32>,
        %parallel_loop3A_182 = arith.index_cast %parallel_loop3A_127 : i32 to index
        %parallel_loop3A_183 = arith.constant 96 : index
        %parallel_loop3A_184 = tpu.vector_load %arg6[%parallel_loop3A_182, %parallel_loop3A_183] {strides = array<i32>} : memref<32x128xf32, #tpu.memory_space<vmem>>, vector<16xf32>,
        %parallel_loop3A_185 = arith.constant 133 : i32
        %parallel_loop3A_186 = arith.muli %parallel_loop3A_127, %parallel_loop3A_185 : i32
        %parallel_loop3A_187 = arith.constant 96 : i32
        %parallel_loop3A_188 = arith.addi %parallel_loop3A_186, %parallel_loop3A_187 : i32
        %parallel_loop3A_189 = arith.index_cast %parallel_loop3A_188 : i32 to index
        %parallel_loop3A_190 = tpu.vector_load %arg15[%parallel_loop3A_189] {strides = array<i32>} : memref<4256xf32, #tpu.memory_space<vmem>>, vector<16xf32>,
        tpu.vector_store %arg15[%parallel_loop3A_189], %parallel_loop3A_184 {strides = array<i32>} : memref<4256xf32, #tpu.memory_space<vmem>>, vector<16xf32>,
        %parallel_loop3A_191 = arith.index_cast %parallel_loop3A_127 : i32 to index
        %parallel_loop3A_192 = arith.constant 112 : index
        %parallel_loop3A_193 = tpu.vector_load %arg6[%parallel_loop3A_191, %parallel_loop3A_192] {strides = array<i32>} : memref<32x128xf32, #tpu.memory_space<vmem>>, vector<16xf32>,
        %parallel_loop3A_194 = arith.constant 133 : i32
        %parallel_loop3A_195 = arith.muli %parallel_loop3A_127, %parallel_loop3A_194 : i32
        %parallel_loop3A_196 = arith.constant 112 : i32
        %parallel_loop3A_197 = arith.addi %parallel_loop3A_195, %parallel_loop3A_196 : i32
        %parallel_loop3A_198 = arith.index_cast %parallel_loop3A_197 : i32 to index
        %parallel_loop3A_199 = tpu.vector_load %arg15[%parallel_loop3A_198] {strides = array<i32>} : memref<4256xf32, #tpu.memory_space<vmem>>, vector<16xf32>,
        tpu.vector_store %arg15[%parallel_loop3A_198], %parallel_loop3A_193 {strides = array<i32>} : memref<4256xf32, #tpu.memory_space<vmem>>, vector<16xf32>,
      } {sc.loop_unroll_factor = 4 : i64, sc.parallel_access}
      %parallel_loop3A_110 = arith.constant 0 : i32
      %parallel_loop3A_111 = arith.constant 128 : i32
      %parallel_loop3A_112 = arith.constant 1 : i32
      scf.for %parallel_loop3A_127 = %parallel_loop3A_110 to %parallel_loop3A_111 step %parallel_loop3A_112  : i32 {
        %parallel_loop3A_128 = vector.broadcast %parallel_loop3A_127 : i32 to vector<16xi32>
        %parallel_loop3A_129 = arith.addi %mul3A_10, %parallel_loop3A_128 : vector<16xi32>
        %parallel_loop3A_130 = tpu.vector_load_idx %arg15[%parallel_loop3A_129] : memref<4256xf32, #tpu.memory_space<vmem>>[vector<16xi32>], vector<16xf32>,
        %parallel_loop3A_131 = arith.constant 32 : i32
        %parallel_loop3A_132 = arith.muli %parallel_loop3A_127, %parallel_loop3A_131 : i32
        %parallel_loop3A_133 = arith.constant 0 : i32
        %parallel_loop3A_134 = arith.addi %parallel_loop3A_132, %parallel_loop3A_133 : i32
        %parallel_loop3A_135 = arith.index_cast %parallel_loop3A_134 : i32 to index
        %parallel_loop3A_136 = tpu.vector_load %arg8[%parallel_loop3A_135] {strides = array<i32>} : memref<4096xf32, #tpu.memory_space<vmem>>, vector<16xf32>,
        tpu.vector_store %arg8[%parallel_loop3A_135], %parallel_loop3A_130 {strides = array<i32>} : memref<4096xf32, #tpu.memory_space<vmem>>, vector<16xf32>,
        %parallel_loop3A_137 = vector.broadcast %parallel_loop3A_127 : i32 to vector<16xi32>
        %parallel_loop3A_138 = arith.addi %mul3A_16, %parallel_loop3A_137 : vector<16xi32>
        %parallel_loop3A_139 = tpu.vector_load_idx %arg15[%parallel_loop3A_138] : memref<4256xf32, #tpu.memory_space<vmem>>[vector<16xi32>], vector<16xf32>,
        %parallel_loop3A_140 = arith.constant 32 : i32
        %parallel_loop3A_141 = arith.muli %parallel_loop3A_127, %parallel_loop3A_140 : i32
        %parallel_loop3A_142 = arith.constant 16 : i32
        %parallel_loop3A_143 = arith.addi %parallel_loop3A_141, %parallel_loop3A_142 : i32
        %parallel_loop3A_144 = arith.index_cast %parallel_loop3A_143 : i32 to index
        %parallel_loop3A_145 = tpu.vector_load %arg8[%parallel_loop3A_144] {strides = array<i32>} : memref<4096xf32, #tpu.memory_space<vmem>>, vector<16xf32>,
        tpu.vector_store %arg8[%parallel_loop3A_144], %parallel_loop3A_139 {strides = array<i32>} : memref<4096xf32, #tpu.memory_space<vmem>>, vector<16xf32>,
      } {sc.loop_unroll_factor = 4 : i64, sc.parallel_access}
      %add3A_113 = arith.constant 4 : i32
      %add3A_114 = arith.addi %add3A_61, %add3A_113 : i32
      %le3A_115 = arith.constant 244 : i32
      %le3A_116 = arith.cmpi sle, %add3A_114, %le3A_115 : i32
      %convert_element_type3A_117 = arith.extui %le3A_116 : i1 to i32
      %cond3A_118 = arith.constant 0 : i32
      %cond3A_119 = arith.cmpi ne, %convert_element_type3A_117, %cond3A_118 : i32
      scf.if %cond3A_119 {
        %add3A_127 = arith.constant 2 : i32
        %add3A_128 = arith.addi %add3A_94, %add3A_127 : i32
        %add3A_129 = arith.addi %add3A_4, %add3A_128 : i32
        %mul3A_130 = arith.constant 128 : i32
        %mul3A_131 = arith.muli %add3A_129, %mul3A_130 : i32
        %dma_start3A_132 = arith.constant 0 : i32
        %dma_start3A_133 = tpu.memref_slice %arg2[%dma_start3A_132, %mul3A_131] : memref<32x1000000xf32, #tpu.memory_space<hbm>> -> memref<32x128xf32, #tpu.memory_space<hbm>>
        %dma_start3A_134 = arith.constant 0 : i32
        %dma_start3A_135 = tpu.memref_slice %arg2[%dma_start3A_134, %mul3A_131] : memref<32x1000000xf32, #tpu.memory_space<hbm>> -> memref<32x128xf32, #tpu.memory_space<hbm>>
        tpu.enqueue_dma source(%dma_start3A_135 : memref<32x128xf32, #tpu.memory_space<hbm>>) target(%arg6 : memref<32x128xf32, #tpu.memory_space<vmem>>) target_semaphore(%arg10 : memref<!tpu.dma_semaphore, #tpu.memory_space<semaphore_mem>>)
      } else {
      }
      %add3A_120 = arith.addi %add3A_4, %add3A_94 : i32
      %mul3A_121 = arith.constant 128 : i32
      %mul3A_122 = arith.muli %add3A_120, %mul3A_121 : i32
      %mul3A_123 = arith.constant 32 : i32
      %mul3A_124 = arith.muli %mul3A_122, %mul3A_123 : i32
      %dma_start3A_125 = tpu.memref_slice %arg4[%mul3A_124] : memref<32000000xf32, #tpu.memory_space<hbm>> -> memref<4096xf32, #tpu.memory_space<hbm>>
      %dma_start3A_126 = tpu.memref_slice %arg4[%mul3A_124] : memref<32000000xf32, #tpu.memory_space<hbm>> -> memref<4096xf32, #tpu.memory_space<hbm>>
      tpu.enqueue_dma source(%arg8 : memref<4096xf32, #tpu.memory_space<vmem>>) target(%dma_start3A_126 : memref<4096xf32, #tpu.memory_space<hbm>>) target_semaphore(%arg12 : memref<!tpu.dma_semaphore, #tpu.memory_space<semaphore_mem>>)
    }
    %scan3A_35 = arith.constant 122 : i32
    %add3A_36 = arith.constant 242 : i32
    %add3A_37 = arith.addi %add3A_4, %add3A_36 : i32
    %mul3A_38 = arith.constant 128 : i32
    %mul3A_39 = arith.muli %add3A_37, %mul3A_38 : i32
    %mul3A_40 = arith.constant 32 : i32
    %mul3A_41 = arith.muli %mul3A_39, %mul3A_40 : i32
    %dma_wait3A = tpu.memref_slice %arg4[%mul3A_41] : memref<32000000xf32, #tpu.memory_space<hbm>> -> memref<4096xf32, #tpu.memory_space<hbm>>
    %dma_wait3A_42 = tpu.memref_slice %arg4[%mul3A_41] : memref<32000000xf32, #tpu.memory_space<hbm>> -> memref<4096xf32, #tpu.memory_space<hbm>>
    tpu.wait_dma2 semaphore(%arg11 : memref<!tpu.dma_semaphore, #tpu.memory_space<semaphore_mem>>) src(%arg7 : memref<4096xf32, #tpu.memory_space<vmem>>) dst(%dma_wait3A_42 : memref<4096xf32, #tpu.memory_space<hbm>>)
    %add3A_43 = arith.constant 243 : i32
    %add3A_44 = arith.addi %add3A_4, %add3A_43 : i32
    %mul3A_45 = arith.constant 128 : i32
    %mul3A_46 = arith.muli %add3A_44, %mul3A_45 : i32
    %mul3A_47 = arith.constant 32 : i32
    %mul3A_48 = arith.muli %mul3A_46, %mul3A_47 : i32
    %dma_wait3A_49 = tpu.memref_slice %arg4[%mul3A_48] : memref<32000000xf32, #tpu.memory_space<hbm>> -> memref<4096xf32, #tpu.memory_space<hbm>>
    %dma_wait3A_50 = tpu.memref_slice %arg4[%mul3A_48] : memref<32000000xf32, #tpu.memory_space<hbm>> -> memref<4096xf32, #tpu.memory_space<hbm>>
    tpu.wait_dma2 semaphore(%arg12 : memref<!tpu.dma_semaphore, #tpu.memory_space<semaphore_mem>>) src(%arg8 : memref<4096xf32, #tpu.memory_space<vmem>>) dst(%dma_wait3A_50 : memref<4096xf32, #tpu.memory_space<hbm>>)
    %lt3A = arith.constant 4 : i32
    %lt3A_51 = arith.cmpi slt, %add3A, %lt3A : i32
    %convert_element_type3A = arith.extui %lt3A_51 : i1 to i32
    %cond3A = arith.constant 0 : i32
    %cond3A_52 = arith.cmpi ne, %convert_element_type3A, %cond3A : i32
    scf.if %cond3A_52 {
      %add3A_57 = arith.constant 244 : i32
      %add3A_58 = arith.addi %add3A_4, %add3A_57 : i32
      %mul3A_59 = arith.constant 128 : i32
      %mul3A_60 = arith.muli %add3A_58, %mul3A_59 : i32
      "tpu.region"() ({
        %run_scoped3A = tpu.sem_alloc : memref<!tpu.dma_semaphore, #tpu.memory_space<semaphore_mem>>
        %dma_start3A_72 = arith.constant 0 : i32
        %dma_start3A_73 = tpu.memref_slice %arg2[%dma_start3A_72, %mul3A_60] : memref<32x1000000xf32, #tpu.memory_space<hbm>> -> memref<32x128xf32, #tpu.memory_space<hbm>>
        %dma_start3A_74 = arith.constant 0 : i32
        %dma_start3A_75 = tpu.memref_slice %arg2[%dma_start3A_74, %mul3A_60] : memref<32x1000000xf32, #tpu.memory_space<hbm>> -> memref<32x128xf32, #tpu.memory_space<hbm>>
        tpu.enqueue_dma source(%dma_start3A_75 : memref<32x128xf32, #tpu.memory_space<hbm>>) target(%arg5 : memref<32x128xf32, #tpu.memory_space<vmem>>) target_semaphore(%run_scoped3A : memref<!tpu.dma_semaphore, #tpu.memory_space<semaphore_mem>>)
        %dma_wait3A_76 = arith.constant 0 : i32
        %dma_wait3A_77 = tpu.memref_slice %arg2[%dma_wait3A_76, %mul3A_60] : memref<32x1000000xf32, #tpu.memory_space<hbm>> -> memref<32x128xf32, #tpu.memory_space<hbm>>
        %dma_wait3A_78 = arith.constant 0 : i32
        %dma_wait3A_79 = tpu.memref_slice %arg2[%dma_wait3A_78, %mul3A_60] : memref<32x1000000xf32, #tpu.memory_space<hbm>> -> memref<32x128xf32, #tpu.memory_space<hbm>>
        tpu.wait_dma2 semaphore(%run_scoped3A : memref<!tpu.dma_semaphore, #tpu.memory_space<semaphore_mem>>) src(%dma_wait3A_79 : memref<32x128xf32, #tpu.memory_space<hbm>>) dst(%arg5 : memref<32x128xf32, #tpu.memory_space<vmem>>)
        tpu.yield
      }) : () -> ()
      %parallel_loop3A = arith.constant 0 : i32
      %parallel_loop3A_61 = arith.constant 32 : i32
      %parallel_loop3A_62 = arith.constant 1 : i32
      scf.for %parallel_loop3A_72 = %parallel_loop3A to %parallel_loop3A_61 step %parallel_loop3A_62  : i32 {
        %parallel_loop3A_73 = arith.index_cast %parallel_loop3A_72 : i32 to index
        %parallel_loop3A_74 = arith.constant 0 : index
        %parallel_loop3A_75 = tpu.vector_load %arg5[%parallel_loop3A_73, %parallel_loop3A_74] {strides = array<i32>} : memref<32x128xf32, #tpu.memory_space<vmem>>, vector<16xf32>,
        %parallel_loop3A_76 = arith.constant 133 : i32
        %parallel_loop3A_77 = arith.muli %parallel_loop3A_72, %parallel_loop3A_76 : i32
        %parallel_loop3A_78 = arith.constant 0 : i32
        %parallel_loop3A_79 = arith.addi %parallel_loop3A_77, %parallel_loop3A_78 : i32
        %parallel_loop3A_80 = arith.index_cast %parallel_loop3A_79 : i32 to index
        %parallel_loop3A_81 = tpu.vector_load %arg15[%parallel_loop3A_80] {strides = array<i32>} : memref<4256xf32, #tpu.memory_space<vmem>>, vector<16xf32>,
        tpu.vector_store %arg15[%parallel_loop3A_80], %parallel_loop3A_75 {strides = array<i32>} : memref<4256xf32, #tpu.memory_space<vmem>>, vector<16xf32>,
        %parallel_loop3A_82 = arith.index_cast %parallel_loop3A_72 : i32 to index
        %parallel_loop3A_83 = arith.constant 16 : index
        %parallel_loop3A_84 = tpu.vector_load %arg5[%parallel_loop3A_82, %parallel_loop3A_83] {strides = array<i32>} : memref<32x128xf32, #tpu.memory_space<vmem>>, vector<16xf32>,
        %parallel_loop3A_85 = arith.constant 133 : i32
        %parallel_loop3A_86 = arith.muli %parallel_loop3A_72, %parallel_loop3A_85 : i32
        %parallel_loop3A_87 = arith.constant 16 : i32
        %parallel_loop3A_88 = arith.addi %parallel_loop3A_86, %parallel_loop3A_87 : i32
        %parallel_loop3A_89 = arith.index_cast %parallel_loop3A_88 : i32 to index
        %parallel_loop3A_90 = tpu.vector_load %arg15[%parallel_loop3A_89] {strides = array<i32>} : memref<4256xf32, #tpu.memory_space<vmem>>, vector<16xf32>,
        tpu.vector_store %arg15[%parallel_loop3A_89], %parallel_loop3A_84 {strides = array<i32>} : memref<4256xf32, #tpu.memory_space<vmem>>, vector<16xf32>,
        %parallel_loop3A_91 = arith.index_cast %parallel_loop3A_72 : i32 to index
        %parallel_loop3A_92 = arith.constant 32 : index
        %parallel_loop3A_93 = tpu.vector_load %arg5[%parallel_loop3A_91, %parallel_loop3A_92] {strides = array<i32>} : memref<32x128xf32, #tpu.memory_space<vmem>>, vector<16xf32>,
        %parallel_loop3A_94 = arith.constant 133 : i32
        %parallel_loop3A_95 = arith.muli %parallel_loop3A_72, %parallel_loop3A_94 : i32
        %parallel_loop3A_96 = arith.constant 32 : i32
        %parallel_loop3A_97 = arith.addi %parallel_loop3A_95, %parallel_loop3A_96 : i32
        %parallel_loop3A_98 = arith.index_cast %parallel_loop3A_97 : i32 to index
        %parallel_loop3A_99 = tpu.vector_load %arg15[%parallel_loop3A_98] {strides = array<i32>} : memref<4256xf32, #tpu.memory_space<vmem>>, vector<16xf32>,
        tpu.vector_store %arg15[%parallel_loop3A_98], %parallel_loop3A_93 {strides = array<i32>} : memref<4256xf32, #tpu.memory_space<vmem>>, vector<16xf32>,
        %parallel_loop3A_100 = arith.index_cast %parallel_loop3A_72 : i32 to index
        %parallel_loop3A_101 = arith.constant 48 : index
        %parallel_loop3A_102 = tpu.vector_load %arg5[%parallel_loop3A_100, %parallel_loop3A_101] {strides = array<i32>} : memref<32x128xf32, #tpu.memory_space<vmem>>, vector<16xf32>,
        %parallel_loop3A_103 = arith.constant 133 : i32
        %parallel_loop3A_104 = arith.muli %parallel_loop3A_72, %parallel_loop3A_103 : i32
        %parallel_loop3A_105 = arith.constant 48 : i32
        %parallel_loop3A_106 = arith.addi %parallel_loop3A_104, %parallel_loop3A_105 : i32
        %parallel_loop3A_107 = arith.index_cast %parallel_loop3A_106 : i32 to index
        %parallel_loop3A_108 = tpu.vector_load %arg15[%parallel_loop3A_107] {strides = array<i32>} : memref<4256xf32, #tpu.memory_space<vmem>>, vector<16xf32>,
        tpu.vector_store %arg15[%parallel_loop3A_107], %parallel_loop3A_102 {strides = array<i32>} : memref<4256xf32, #tpu.memory_space<vmem>>, vector<16xf32>,
        %parallel_loop3A_109 = arith.index_cast %parallel_loop3A_72 : i32 to index
        %parallel_loop3A_110 = arith.constant 64 : index
        %parallel_loop3A_111 = tpu.vector_load %arg5[%parallel_loop3A_109, %parallel_loop3A_110] {strides = array<i32>} : memref<32x128xf32, #tpu.memory_space<vmem>>, vector<16xf32>,
        %parallel_loop3A_112 = arith.constant 133 : i32
        %parallel_loop3A_113 = arith.muli %parallel_loop3A_72, %parallel_loop3A_112 : i32
        %parallel_loop3A_114 = arith.constant 64 : i32
        %parallel_loop3A_115 = arith.addi %parallel_loop3A_113, %parallel_loop3A_114 : i32
        %parallel_loop3A_116 = arith.index_cast %parallel_loop3A_115 : i32 to index
        %parallel_loop3A_117 = tpu.vector_load %arg15[%parallel_loop3A_116] {strides = array<i32>} : memref<4256xf32, #tpu.memory_space<vmem>>, vector<16xf32>,
        tpu.vector_store %arg15[%parallel_loop3A_116], %parallel_loop3A_111 {strides = array<i32>} : memref<4256xf32, #tpu.memory_space<vmem>>, vector<16xf32>,
        %parallel_loop3A_118 = arith.index_cast %parallel_loop3A_72 : i32 to index
        %parallel_loop3A_119 = arith.constant 80 : index
        %parallel_loop3A_120 = tpu.vector_load %arg5[%parallel_loop3A_118, %parallel_loop3A_119] {strides = array<i32>} : memref<32x128xf32, #tpu.memory_space<vmem>>, vector<16xf32>,
        %parallel_loop3A_121 = arith.constant 133 : i32
        %parallel_loop3A_122 = arith.muli %parallel_loop3A_72, %parallel_loop3A_121 : i32
        %parallel_loop3A_123 = arith.constant 80 : i32
        %parallel_loop3A_124 = arith.addi %parallel_loop3A_122, %parallel_loop3A_123 : i32
        %parallel_loop3A_125 = arith.index_cast %parallel_loop3A_124 : i32 to index
        %parallel_loop3A_126 = tpu.vector_load %arg15[%parallel_loop3A_125] {strides = array<i32>} : memref<4256xf32, #tpu.memory_space<vmem>>, vector<16xf32>,
        tpu.vector_store %arg15[%parallel_loop3A_125], %parallel_loop3A_120 {strides = array<i32>} : memref<4256xf32, #tpu.memory_space<vmem>>, vector<16xf32>,
        %parallel_loop3A_127 = arith.index_cast %parallel_loop3A_72 : i32 to index
        %parallel_loop3A_128 = arith.constant 96 : index
        %parallel_loop3A_129 = tpu.vector_load %arg5[%parallel_loop3A_127, %parallel_loop3A_128] {strides = array<i32>} : memref<32x128xf32, #tpu.memory_space<vmem>>, vector<16xf32>,
        %parallel_loop3A_130 = arith.constant 133 : i32
        %parallel_loop3A_131 = arith.muli %parallel_loop3A_72, %parallel_loop3A_130 : i32
        %parallel_loop3A_132 = arith.constant 96 : i32
        %parallel_loop3A_133 = arith.addi %parallel_loop3A_131, %parallel_loop3A_132 : i32
        %parallel_loop3A_134 = arith.index_cast %parallel_loop3A_133 : i32 to index
        %parallel_loop3A_135 = tpu.vector_load %arg15[%parallel_loop3A_134] {strides = array<i32>} : memref<4256xf32, #tpu.memory_space<vmem>>, vector<16xf32>,
        tpu.vector_store %arg15[%parallel_loop3A_134], %parallel_loop3A_129 {strides = array<i32>} : memref<4256xf32, #tpu.memory_space<vmem>>, vector<16xf32>,
        %parallel_loop3A_136 = arith.index_cast %parallel_loop3A_72 : i32 to index
        %parallel_loop3A_137 = arith.constant 112 : index
        %parallel_loop3A_138 = tpu.vector_load %arg5[%parallel_loop3A_136, %parallel_loop3A_137] {strides = array<i32>} : memref<32x128xf32, #tpu.memory_space<vmem>>, vector<16xf32>,
        %parallel_loop3A_139 = arith.constant 133 : i32
        %parallel_loop3A_140 = arith.muli %parallel_loop3A_72, %parallel_loop3A_139 : i32
        %parallel_loop3A_141 = arith.constant 112 : i32
        %parallel_loop3A_142 = arith.addi %parallel_loop3A_140, %parallel_loop3A_141 : i32
        %parallel_loop3A_143 = arith.index_cast %parallel_loop3A_142 : i32 to index
        %parallel_loop3A_144 = tpu.vector_load %arg15[%parallel_loop3A_143] {strides = array<i32>} : memref<4256xf32, #tpu.memory_space<vmem>>, vector<16xf32>,
        tpu.vector_store %arg15[%parallel_loop3A_143], %parallel_loop3A_138 {strides = array<i32>} : memref<4256xf32, #tpu.memory_space<vmem>>, vector<16xf32>,
      } {sc.loop_unroll_factor = 4 : i64, sc.parallel_access}
      %parallel_loop3A_63 = arith.constant 0 : i32
      %parallel_loop3A_64 = arith.constant 128 : i32
      %parallel_loop3A_65 = arith.constant 1 : i32
      scf.for %parallel_loop3A_72 = %parallel_loop3A_63 to %parallel_loop3A_64 step %parallel_loop3A_65  : i32 {
        %parallel_loop3A_73 = vector.broadcast %parallel_loop3A_72 : i32 to vector<16xi32>
        %parallel_loop3A_74 = arith.addi %mul3A_10, %parallel_loop3A_73 : vector<16xi32>
        %parallel_loop3A_75 = tpu.vector_load_idx %arg15[%parallel_loop3A_74] : memref<4256xf32, #tpu.memory_space<vmem>>[vector<16xi32>], vector<16xf32>,
        %parallel_loop3A_76 = arith.constant 32 : i32
        %parallel_loop3A_77 = arith.muli %parallel_loop3A_72, %parallel_loop3A_76 : i32
        %parallel_loop3A_78 = arith.constant 0 : i32
        %parallel_loop3A_79 = arith.addi %parallel_loop3A_77, %parallel_loop3A_78 : i32
        %parallel_loop3A_80 = arith.index_cast %parallel_loop3A_79 : i32 to index
        %parallel_loop3A_81 = tpu.vector_load %arg7[%parallel_loop3A_80] {strides = array<i32>} : memref<4096xf32, #tpu.memory_space<vmem>>, vector<16xf32>,
        tpu.vector_store %arg7[%parallel_loop3A_80], %parallel_loop3A_75 {strides = array<i32>} : memref<4096xf32, #tpu.memory_space<vmem>>, vector<16xf32>,
        %parallel_loop3A_82 = vector.broadcast %parallel_loop3A_72 : i32 to vector<16xi32>
        %parallel_loop3A_83 = arith.addi %mul3A_16, %parallel_loop3A_82 : vector<16xi32>
        %parallel_loop3A_84 = tpu.vector_load_idx %arg15[%parallel_loop3A_83] : memref<4256xf32, #tpu.memory_space<vmem>>[vector<16xi32>], vector<16xf32>,
        %parallel_loop3A_85 = arith.constant 32 : i32
        %parallel_loop3A_86 = arith.muli %parallel_loop3A_72, %parallel_loop3A_85 : i32
        %parallel_loop3A_87 = arith.constant 16 : i32
        %parallel_loop3A_88 = arith.addi %parallel_loop3A_86, %parallel_loop3A_87 : i32
        %parallel_loop3A_89 = arith.index_cast %parallel_loop3A_88 : i32 to index
        %parallel_loop3A_90 = tpu.vector_load %arg7[%parallel_loop3A_89] {strides = array<i32>} : memref<4096xf32, #tpu.memory_space<vmem>>, vector<16xf32>,
        tpu.vector_store %arg7[%parallel_loop3A_89], %parallel_loop3A_84 {strides = array<i32>} : memref<4096xf32, #tpu.memory_space<vmem>>, vector<16xf32>,
      } {sc.loop_unroll_factor = 4 : i64, sc.parallel_access}
      %add3A_66 = arith.constant 244 : i32
      %add3A_67 = arith.addi %add3A_4, %add3A_66 : i32
      %mul3A_68 = arith.constant 128 : i32
      %mul3A_69 = arith.muli %add3A_67, %mul3A_68 : i32
      %mul3A_70 = arith.constant 32 : i32
      %mul3A_71 = arith.muli %mul3A_69, %mul3A_70 : i32
      "tpu.region"() ({
        %run_scoped3A = tpu.sem_alloc : memref<!tpu.dma_semaphore, #tpu.memory_space<semaphore_mem>>
        %dma_start3A_72 = tpu.memref_slice %arg4[%mul3A_71] : memref<32000000xf32, #tpu.memory_space<hbm>> -> memref<4096xf32, #tpu.memory_space<hbm>>
        %dma_start3A_73 = tpu.memref_slice %arg4[%mul3A_71] : memref<32000000xf32, #tpu.memory_space<hbm>> -> memref<4096xf32, #tpu.memory_space<hbm>>
        tpu.enqueue_dma source(%arg7 : memref<4096xf32, #tpu.memory_space<vmem>>) target(%dma_start3A_73 : memref<4096xf32, #tpu.memory_space<hbm>>) target_semaphore(%run_scoped3A : memref<!tpu.dma_semaphore, #tpu.memory_space<semaphore_mem>>)
        %dma_wait3A_74 = tpu.memref_slice %arg4[%mul3A_71] : memref<32000000xf32, #tpu.memory_space<hbm>> -> memref<4096xf32, #tpu.memory_space<hbm>>
        %dma_wait3A_75 = tpu.memref_slice %arg4[%mul3A_71] : memref<32000000xf32, #tpu.memory_space<hbm>> -> memref<4096xf32, #tpu.memory_space<hbm>>
        tpu.wait_dma2 semaphore(%run_scoped3A : memref<!tpu.dma_semaphore, #tpu.memory_space<semaphore_mem>>) src(%arg7 : memref<4096xf32, #tpu.memory_space<vmem>>) dst(%dma_wait3A_75 : memref<4096xf32, #tpu.memory_space<hbm>>)
        tpu.yield
      }) : () -> ()
    } else {
    }
    %eq3A = arith.constant 31 : i32
    %eq3A_53 = arith.cmpi eq, %add3A, %eq3A : i32
    %convert_element_type3A_54 = arith.extui %eq3A_53 : i1 to i32
    %cond3A_55 = arith.constant 0 : i32
    %cond3A_56 = arith.cmpi ne, %convert_element_type3A_54, %cond3A_55 : i32
    scf.if %cond3A_56 {
      "tpu.region"() ({
        %run_scoped3A = tpu.sem_alloc : memref<!tpu.dma_semaphore, #tpu.memory_space<semaphore_mem>>
        tpu.enqueue_dma source(%arg3 : memref<2048xf32, #tpu.memory_space<hbm>>) target(%arg13 : memref<2048xf32, #tpu.memory_space<vmem>>) target_semaphore(%run_scoped3A : memref<!tpu.dma_semaphore, #tpu.memory_space<semaphore_mem>>)
        tpu.wait_dma2 semaphore(%run_scoped3A : memref<!tpu.dma_semaphore, #tpu.memory_space<semaphore_mem>>) src(%arg3 : memref<2048xf32, #tpu.memory_space<hbm>>) dst(%arg13 : memref<2048xf32, #tpu.memory_space<vmem>>)
        tpu.yield
      }) : () -> ()
      %parallel_loop3A = arith.constant 0 : i32
      %parallel_loop3A_57 = arith.constant 64 : i32
      %parallel_loop3A_58 = arith.constant 1 : i32
      scf.for %parallel_loop3A_59 = %parallel_loop3A to %parallel_loop3A_57 step %parallel_loop3A_58  : i32 {
        %parallel_loop3A_60 = arith.constant 0 : i32
        %parallel_loop3A_61 = vector.broadcast %parallel_loop3A_60 : i32 to vector<16xi32>
        %parallel_loop3A_62 = arith.addi %parallel_loop3A_61, %iota3A : vector<16xi32>
        %parallel_loop3A_63 = arith.constant 64 : i32
        %parallel_loop3A_64 = vector.broadcast %parallel_loop3A_63 : i32 to vector<16xi32>
        %parallel_loop3A_65 = arith.muli %parallel_loop3A_62, %parallel_loop3A_64 : vector<16xi32>
        %parallel_loop3A_66 = vector.broadcast %parallel_loop3A_59 : i32 to vector<16xi32>
        %parallel_loop3A_67 = arith.addi %parallel_loop3A_65, %parallel_loop3A_66 : vector<16xi32>
        %parallel_loop3A_68 = tpu.vector_load_idx %arg13[%parallel_loop3A_67] : memref<2048xf32, #tpu.memory_space<vmem>>[vector<16xi32>], vector<16xf32>,
        %parallel_loop3A_69 = arith.constant 32 : i32
        %parallel_loop3A_70 = arith.muli %parallel_loop3A_59, %parallel_loop3A_69 : i32
        %parallel_loop3A_71 = arith.constant 0 : i32
        %parallel_loop3A_72 = arith.addi %parallel_loop3A_70, %parallel_loop3A_71 : i32
        %parallel_loop3A_73 = arith.index_cast %parallel_loop3A_72 : i32 to index
        %parallel_loop3A_74 = tpu.vector_load %arg14[%parallel_loop3A_73] {strides = array<i32>} : memref<2048xf32, #tpu.memory_space<vmem>>, vector<16xf32>,
        tpu.vector_store %arg14[%parallel_loop3A_73], %parallel_loop3A_68 {strides = array<i32>} : memref<2048xf32, #tpu.memory_space<vmem>>, vector<16xf32>,
        %parallel_loop3A_75 = arith.constant 16 : i32
        %parallel_loop3A_76 = vector.broadcast %parallel_loop3A_75 : i32 to vector<16xi32>
        %parallel_loop3A_77 = arith.addi %parallel_loop3A_76, %iota3A : vector<16xi32>
        %parallel_loop3A_78 = arith.constant 64 : i32
        %parallel_loop3A_79 = vector.broadcast %parallel_loop3A_78 : i32 to vector<16xi32>
        %parallel_loop3A_80 = arith.muli %parallel_loop3A_77, %parallel_loop3A_79 : vector<16xi32>
        %parallel_loop3A_81 = vector.broadcast %parallel_loop3A_59 : i32 to vector<16xi32>
        %parallel_loop3A_82 = arith.addi %parallel_loop3A_80, %parallel_loop3A_81 : vector<16xi32>
        %parallel_loop3A_83 = tpu.vector_load_idx %arg13[%parallel_loop3A_82] : memref<2048xf32, #tpu.memory_space<vmem>>[vector<16xi32>], vector<16xf32>,
        %parallel_loop3A_84 = arith.constant 32 : i32
        %parallel_loop3A_85 = arith.muli %parallel_loop3A_59, %parallel_loop3A_84 : i32
        %parallel_loop3A_86 = arith.constant 16 : i32
        %parallel_loop3A_87 = arith.addi %parallel_loop3A_85, %parallel_loop3A_86 : i32
        %parallel_loop3A_88 = arith.index_cast %parallel_loop3A_87 : i32 to index
        %parallel_loop3A_89 = tpu.vector_load %arg14[%parallel_loop3A_88] {strides = array<i32>} : memref<2048xf32, #tpu.memory_space<vmem>>, vector<16xf32>,
        tpu.vector_store %arg14[%parallel_loop3A_88], %parallel_loop3A_83 {strides = array<i32>} : memref<2048xf32, #tpu.memory_space<vmem>>, vector<16xf32>,
      } {sc.loop_unroll_factor = 4 : i64, sc.parallel_access}
      "tpu.region"() ({
        %run_scoped3A = tpu.sem_alloc : memref<!tpu.dma_semaphore, #tpu.memory_space<semaphore_mem>>
        %dma_start3A_59 = arith.constant 31997952 : i32
        %dma_start3A_60 = tpu.memref_slice %arg4[%dma_start3A_59] : memref<32000000xf32, #tpu.memory_space<hbm>> -> memref<2048xf32, #tpu.memory_space<hbm>>
        %dma_start3A_61 = arith.constant 31997952 : i32
        %dma_start3A_62 = tpu.memref_slice %arg4[%dma_start3A_61] : memref<32000000xf32, #tpu.memory_space<hbm>> -> memref<2048xf32, #tpu.memory_space<hbm>>
        tpu.enqueue_dma source(%arg14 : memref<2048xf32, #tpu.memory_space<vmem>>) target(%dma_start3A_62 : memref<2048xf32, #tpu.memory_space<hbm>>) target_semaphore(%run_scoped3A : memref<!tpu.dma_semaphore, #tpu.memory_space<semaphore_mem>>)
        %dma_wait3A_63 = arith.constant 31997952 : i32
        %dma_wait3A_64 = tpu.memref_slice %arg4[%dma_wait3A_63] : memref<32000000xf32, #tpu.memory_space<hbm>> -> memref<2048xf32, #tpu.memory_space<hbm>>
        %dma_wait3A_65 = arith.constant 31997952 : i32
        %dma_wait3A_66 = tpu.memref_slice %arg4[%dma_wait3A_65] : memref<32000000xf32, #tpu.memory_space<hbm>> -> memref<2048xf32, #tpu.memory_space<hbm>>
        tpu.wait_dma2 semaphore(%run_scoped3A : memref<!tpu.dma_semaphore, #tpu.memory_space<semaphore_mem>>) src(%arg14 : memref<2048xf32, #tpu.memory_space<vmem>>) dst(%dma_wait3A_66 : memref<2048xf32, #tpu.memory_space<hbm>>)
        tpu.yield
      }) : () -> ()
    } else {
    }
    return
  }
}

</mosaic_0001>

<sc_bundles>
// kernel: _convert.3.cloned.1.call-start
scs
__scs_entry_jumppad:
0x0: {  	(pc) =	sbr.rel $0x88, $3  }
0x1: {  	(tag) =	ssettag $0x0;
	lr =	simm.s32 $0x1  }
0x2: {  	[smem:$0x3F9F] =	sst lr;
	_ =	strace $0xD0000000  }
0x3: {  	_ = 	snop  }
0x4: {  	_ = 	snop  }
0x5: {  	_ = 	snop  }
0x6: {  	_ = 	snop  }
0x7: {  	_ = 	snop  }
__scs_overlays_trampoline_lowered:
0x8: {  	[smem:$0x3FAE] =	sst s0  }
0x9: {  	[smem:$0x3FAF] =	sst s1  }
0xa: {  	[smem:$0x3FB0] =	sst s2  }
0xb: {  	[smem:$0x3FB1] =	sst s3  }
0xc: {  	[smem:$0x3FB2] =	sst s4  }
0xd: {  	[smem:$0x3FB3] =	sst s5  }
0xe: {  	[smem:$0x3FB4] =	sst s6  }
0xf: {  	[smem:$0x3FB5] =	sst s7  }
0x10: {  	[smem:$0x3FB6] =	sst s8  }
0x11: {  	[smem:$0x3FB7] =	sst s9;
	s0 =	simm.s32 @!p0 $0x0  }
0x12: {  	s1 =	sld [smem:$0x3F9D];
	s0 =	simm.s32 @p0 $0x1  }
0x13: {  	[smem:$0x3FB8] =	sst s0;
	s0 =	simm.s32 @!p1 $0x0  }
0x14: {  	s2 =	sld [smem:$0x3F9C];
	s0 =	simm.s32 @p1 $0x1  }
0x15: {  	[smem:$0x3FB9] =	sst s0;
	s0 =	simm.s32 @!p2 $0x0  }
0x16: {  	s3 =	sld [smem:$0x3FDB];
	s0 =	simm.s32 @p2 $0x1  }
0x17: {  	s4 =	simm.s32 $0x1BF5;
	[smem:$0x3FBB] =	sst s0  }
0x18: {  	s0 =	sld [smem:$0x3F9E];
	_ =	swait.ge [sflag:s4], $0x0  }
0x19: {  	s7 =	sld [smem:$0x3F9F]  }
0x1a: {  	s8 =	sadd.s32 $0xFFFFE003, lr  }
0x1b: {  	s9 =	sadd.s32 $0xFFFFFEF7, lr;
	s5 =	simm.s32 $0xFFFFFFFF;
	p2 =	slt.u32 s8, $0xFFFFF086  }
0x1c: {  	p1 =	slt.u32 s9, $0xF7A;
	s5 =	simm.s32 @!p2 $0x0  }
0x1d: {  	s5 =	simm.s32 @p1 $0x1;
	p0 =	seq.s32 s7, s2  }
0x1e: {  	s7 =	smul.u32 @!p0 $0xF7A, s2;
	p2 =	seq.s32 @!p0 s5, $0x0  }
0x1f: {  	s9 =	smul.u32 $0xF7A, s1;
	s8 =	simm.s32 @!p0 $0x1BF5;
	p2 =	por !p2, p0  }
0x20: {  	[sflag:s8] =	ssyncset.s32 @!p0 $0xFFFFF086;
	s6 =	sadd.s32 @!p0 s3, s7;
	s7 =	simm.s32 @!p0 $0x108  }
0x21: {  	s3 =	sadd.s32 s3, s9;
	s6 =	sadd.s32 @!p0 $0x88, s6;
	s7 =	simm.s32 @p2 $0x1082  }
0x22: {  	[simem:s7], [sflag:s8] =	dma.local @!p0 [hbm:s6], $0xF7A  }
0x23: {  	s9 =	sor.u32 $0xD0000000, s2;
	s6 =	simm.s32 $0x108;
	_ =	swait.ge @!p0 [sflag:s8], $0x0  }
0x24: {  	s3 =	sadd.s32 $0x88, s3;
	s6 =	simm.s32 @!p1 $0x1082;
	[sflag:s4] =	ssyncset.s32 $0xFFFFF086  }
0x25: {  	[simem:s6], [sflag:s4] =	dma.local [hbm:s3], $0xF7A  }
0x26: {  	[smem:$0x3F9F] =	sst s1;
	(tag) =	ssettag s2;
	_ =	strace s9  }
0x27: {  	s1 =	sld [smem:$0x3FAF]  }
0x28: {  	s2 =	sld [smem:$0x3FB0]  }
0x29: {  	s4 =	sld [smem:$0x3FB2]  }
0x2a: {  	p0 =	seq.s32 s5, $0x0;
	s5 =	sld [smem:$0x3FB3]  }
0x2b: {  	s6 =	sld [smem:$0x3FB4]  }
0x2c: {  	s7 =	sld [smem:$0x3FB5]  }
0x2d: {  	s3 =	simm.s32 $0x108;
	s8 =	sld [smem:$0x3FB6]  }
0x2e: {  	s3 =	simm.s32 @!p0 $0x1082;
	s9 =	sld [smem:$0x3FB7]  }
0x2f: {  	lr =	sadd.s32 s0, s3;
	s0 =	sld [smem:$0x3FAE]  }
0x30: {  	s3 =	sld [smem:$0x3FB1]  }
0x31: {  	[smem:$0x3FBA] =	sst s10  }
0x32: {  	s10 =	sld [smem:$0x3FB8];
	_ =	sdelay $0x3  }
0x33: {  	p0 =	seq.s32 s10, $0x1;
	s10 =	sld [smem:$0x3FBA];
	_ =	sdelay $0x3  }
0x34: {  	[smem:$0x3FBA] =	sst s10  }
0x35: {  	s10 =	sld [smem:$0x3FB9];
	_ =	sdelay $0x3  }
0x36: {  	p1 =	seq.s32 s10, $0x1;
	s10 =	sld [smem:$0x3FBA];
	_ =	sdelay $0x3  }
0x37: {  	[smem:$0x3FBA] =	sst s10  }
0x38: {  	s10 =	sld [smem:$0x3FBB]  }
0x39: {  	_ = 	snop;
	(pc) =	sbr.ind lr, $3  }
0x3a: {  	_ = 	snop  }
0x3b: {  	_ = 	snop  }
0x3c: {  	p2 =	seq.s32 s10, $0x1;
	s10 =	sld [smem:$0x3FBA]  }
0x3d: {  	_ =	shalt  }
0x3e: {  	_ =	shalt  }
0x3f: {  	_ =	shalt  }
0x40: {  	_ =	shalt  }
0x41: {  	_ =	shalt  }
0x42: {  	_ =	shalt  }
0x43: {  	_ =	shalt  }
0x44: {  	_ =	shalt  }
0x45: {  	_ =	shalt  }
0x46: {  	_ =	shalt  }
0x47: {  	_ =	shalt  }
0x48: {  	_ =	shalt  }
0x49: {  	_ =	shalt  }
0x4a: {  	_ =	shalt  }
0x4b: {  	_ =	shalt  }
0x4c: {  	_ =	shalt  }
0x4d: {  	_ =	shalt  }
0x4e: {  	_ =	shalt  }
0x4f: {  	_ =	shalt  }
0x50: {  	_ =	shalt  }
0x51: {  	_ =	shalt  }
0x52: {  	_ =	shalt  }
0x53: {  	_ =	shalt  }
0x54: {  	_ =	shalt  }
0x55: {  	_ =	shalt  }
0x56: {  	_ =	shalt  }
0x57: {  	_ =	shalt  }
0x58: {  	_ =	shalt  }
0x59: {  	_ =	shalt  }
0x5a: {  	_ =	shalt  }
0x5b: {  	_ =	shalt  }
0x5c: {  	_ =	shalt  }
0x5d: {  	_ =	shalt  }
0x5e: {  	_ =	shalt  }
0x5f: {  	_ =	shalt  }
0x60: {  	_ =	shalt  }
0x61: {  	_ =	shalt  }
0x62: {  	_ =	shalt  }
0x63: {  	_ =	shalt  }
0x64: {  	_ =	shalt  }
0x65: {  	_ =	shalt  }
0x66: {  	_ =	shalt  }
0x67: {  	_ =	shalt  }
0x68: {  	_ =	shalt  }
0x69: {  	_ =	shalt  }
0x6a: {  	_ =	shalt  }
0x6b: {  	_ =	shalt  }
0x6c: {  	_ =	shalt  }
0x6d: {  	_ =	shalt  }
0x6e: {  	_ =	shalt  }
0x6f: {  	_ =	shalt  }
0x70: {  	_ =	shalt  }
0x71: {  	_ =	shalt  }
0x72: {  	_ =	shalt  }
0x73: {  	_ =	shalt  }
0x74: {  	_ =	shalt  }
0x75: {  	_ =	shalt  }
0x76: {  	_ =	shalt  }
0x77: {  	_ =	shalt  }
0x78: {  	_ =	shalt  }
0x79: {  	_ =	shalt  }
0x7a: {  	_ =	shalt  }
0x7b: {  	_ =	shalt  }
0x7c: {  	_ =	shalt  }
0x7d: {  	_ =	shalt  }
0x7e: {  	_ =	shalt  }
0x7f: {  	_ =	shalt  }
0x80: {  	_ =	shalt  }
0x81: {  	_ =	shalt  }
0x82: {  	_ =	shalt  }
0x83: {  	_ =	shalt  }
0x84: {  	_ =	shalt  }
0x85: {  	_ =	shalt  }
0x86: {  	_ =	shalt  }
0x87: {  	_ =	shalt  }
.Lfunc_end0:
.L_simem_size_0:
called_computation_lowered:
.L_overlay_start_0:
0x88: {  	s2 =	sld [smem:$0x3FD9]  }
0x89: {  	s3 =	sld [smem:$0x3FFE];
	_ =	sdelay $0x1  }
0x8a: {  	s1 =	srdreg.scid  }
0x8b: {  	s0 =	sand.u32 $0x1, s1  }
0x8c: {  	s18 =	sshll.u32 s0, $0xA;
	s2 =	sadd.s32 s3, s2  }
0x8d: {  	s2 =	sadd.s32 s2, s18  }
0x8e: {  	[smem:$0x3FC6] =	sst s2  }
0x8f: {  	_ = 	snop  }
0x90: {  	s2 =	sld [smem:$0x3FC9]  }
0x91: {  	s19 =	sld [smem:$0x3FC8]  }
0x92: {  	s4 =	sld [smem:$0x3FD0];
	(tm) =	ssettm $0x1  }
0x93: {  	s5 =	sld [smem:$0x3FFB];
	_ =	sdelay $0x3  }
0x94: {  	_ =	strace s5  }
0x95: {  	s5 =	sld [smem:$0x3FFC];
	_ =	sdelay $0x3  }
0x96: {  	_ =	strace s5  }
0x97: {  	s5 =	sld [smem:$0x3FFD];
	_ =	sdelay $0x3  }
0x98: {  	_ =	strace s5  }
0x99: {  	_ =	strace $0x8FFFFFFF  }
0x9a: {  	s20 =	sld [smem:$0x3FDB];
	_ =	sdelay $0x1  }
0x9b: {  	s6 =	simm.s32 $_scs_section_size  }
0x9c: {  	s7 =	simm.s32 $_size__tile_overlayer_lowered;
	s8 =	simm.s32 $_tile_overlayer_lowered  }
0x9d: {  	s23 =	simm.s32 $0x1BFF;
	s22 =	sshll.u32 s8, $0x1;
	s5 =	sadd.s32 s6, s20  }
0x9e: {  	s9 =	simm.s32 $0x0;
	s21 =	sshll.u32 s7, $0x1;
	s7 =	sadd.s32 s22, s5  }
0x9f: {  	[timem:s9], [sflag:s23] =	dma.local [hbm:s7], s21  }
0xa0: {  	_ =	swait.ge [sflag:s23], s21  }
0xa1: {  	s6 =	ssub.s32 $0x0, s21;
	[sflag:s23] =	ssyncset.done $0x0  }
0xa2: {  	[sflag:s23] =	ssyncadd.s32 s6;
	_ =	sdelay $0x1  }
0xa3: {  	s24 =	simm.s32 $0x1B8B  }
0xa4: {  	_ =	swait.ge [sflag:s24], $0x1  }
0xa5: {  	[sflag:s24] =	ssyncset.done $0x0  }
0xa6: {  	s25 =	simm.s32 $0x1B8E;
	[sflag:s24] =	ssyncadd.s32 $0xFFFFFFFF  }
0xa7: {  	s26 =	simm.s32 $execute0_lowered;
	[smem:$0x3FD2] =	sst s25  }
0xa8: {  	s6 =	sshll.u32 s26, $0x1;
	_ =	strace $0x80000046;
	[dreg:$0x1] =	wrdreg $0xFFFFFFFF  }
0xa9: {  	s28 =	simm.s32 $_size_execute0_lowered;
	s5 =	sadd.s32 s5, s6;
	[dreg:$0x0] =	wrdreg $0x0  }
0xaa: {  	s6 =	sshll.u32 s28, $0x1;
	[dreg:$0x2] =	wrdreg s5  }
0xab: {  	[dreg:$0x3] =	wrdreg s6  }
0xac: {  	[dreg:$0x4] =	wrdreg $0xC0  }
0xad: {  	_ =	task [dreg:s9], $0x5FFFF  }
0xae: {  	[dreg:$0x1] =	wrdreg $0xFFFFFFFF  }
0xaf: {  	[dreg:$0x0] =	wrdreg $0x60  }
0xb0: {  	[dreg:$0x2] =	wrdreg s2  }
0xb1: {  	[dreg:$0x3] =	wrdreg s19  }
0xb2: {  	[dreg:$0x4] =	wrdreg s4  }
0xb3: {  	[dreg:$0x5] =	wrdreg $0x9  }
0xb4: {  	_ =	task.clear_ibuf [dreg:s9], $0x6FFFF;
	_ =	strace $0x90000046  }
0xb5: {  	s29 =	simm.s32 $0x9;
	_ =	strace $0x80000048  }
0xb6: {  	_ =	swait.ge [sflag:s29], $0x1  }
0xb7: {  	[sflag:s29] =	ssyncadd.s32 $0xFFFFFFFF  }
0xb8: {  	_ =	strace $0x90000048  }
0xb9: {  	_ =	sfence  }
0xba: {  	s30 =	sld [smem:$0x0];
	_ =	sdelay $0x2  }
0xbb: {  	s31 =	sshll.u32 s1, $0xD;
	s1 =	sshrl.u32 s1, $0x2  }
0xbc: {  	s3 =	sand.u32 $0x4000, s31;
	s1 =	sadd.s32 s1, s30  }
0xbd: {  	s0 =	sor.u32 s3, s0;
	s1 =	sshll.u32 s1, $0x11  }
0xbe: {  	s0 =	sor.u32 s1, s0  }
0xbf: {  	s0 =	sadd.s32 $0x8F2B, s0  }
0xc0: {  	[sflag:s0] =	ssyncadd.remote.s32 $0x1  }
0xc1: {  	_ =	sfence.sel $0xFFFF  }
0xc2: {  	[dreg:$0x0] =	wrdreg $0xFFFFFFFF;
	(pc) =	sbr.abs _section_cstart, $3  }
0xc3: {  	[dreg:$0x1] =	wrdreg $0xFFFFFFFF  }
0xc4: {  	_ =	task.clear_ibuf [dreg:s9], $0x2FFFF;
	_ =	strace $0x9FFFFFFF  }
0xc5: {  	(tm) =	ssettm $0x7FFFFFFF  }
tec
execute0_lowered:
.L_overlay_start_1:
0x0: {  	(tag) =	ssettag $0x1  }
0x1: {  	s0 =	srdreg.scid  }
0x2: {  	s8 =	stileid.u32;
	s2 =	rddreg [dreg:$0x0]  }
0x3: {  	s4 =	rddreg [dreg:$0x2];
	s5 =	simm.s32 $0x0;
	s19 =	simm.s32 $0x1  }
0x4: {  	s20 =	simm.s32 $0x5000;
	s22 =	simm.s32 $0x2;
	s28 =	simm.s32 $0x4000  }
0x5: {  	s0 =	sand.u32 $0x1, s0;
	s1 =	sshll.u32 s8, $0x1;
	[smem:$0x7FF] =	sst s5  }
0x6: {  	s31 =	sadd.s32 $0x3D0800, s4;
	p0 =	sgt.u32 s8, $0x1;
	s1 =	sor.u32 s0, s1  }
0x7: {  	s0 =	ssub.s32 $0x2, s0;
	_ =	strace $0x80000047;
	s3 =	smul.u32 $0xF4, s1  }
0x8: {  	[dreg:$0x8] =	wrdreg s31;
	s6 =	smin.u32 s1, $0x4;
	s7 =	sshrl.u32 s0, $0x1  }
0x9: {  	p1 =	sne.s32 s1, $0x1F;
	s1 =	simm.s32 $0x0;
	s6 =	sadd.s32 s6, s3  }
0xa: {  	s0 =	ssub.s32 s0, s7;
	s3 =	sshll.u32 s6, $0x7;
	s29 =	sadd.s32 $0xF4, s6  }
0xb: {  	s0 =	smax.u32 s0, $0x1;
	s3 =	sadd.s32 s2, s3;
	s30 =	sshll.u32 s29, $0x7  }
.Ltmp0:
0xc: {  	[dreg:$0x4] =	wrdreg s3;
	s3 =	sadd.s32 $0x80, s3;
	(pc) =	sbr.rel .LBB2_1-.Ltmp0, $4  }
0xd: {  	v1 =	vlaneseq.u32;
	s7 =	sand.u32 $0x1FFFFF80, s30;
	[dreg:$0x5] =	wrdreg s3;
	s3 =	sshll.u32 s29, $0x9  }
0xe: {  	v0 =	vmul.u32 $0x85, v1;
	v1 =	vmul.u32 $0x40, v1;
	[dreg:$0x9] =	wrdreg s0;
	s7 =	sadd.s32 s2, s7;
	s3 =	sand.u32 $0x1FFFFE00, s3  }
0xf: {  	s9 =	sadd.s32 $0x2, s6;
	[dreg:$0x6] =	wrdreg s7;
	s3 =	sadd.s32 s4, s3  }
0x10: {  	v2 =	vadd.s32 $0x850, v0;
	v3 =	vor.u32 $0x400, v1;
	s10 =	sadd.s32 $0x1, s6;
	s11 =	sadd.s32 $0x3, s6;
	[dreg:$0x7] =	wrdreg s3  }
.LBB2_45:
0x11: {  	s1 =	sadd.s32 $0x1, s1;
	s0 =	rddreg [dreg:$0x9]  }
0x12: {  	p2 =	sne.s32 s1, s0  }
.Ltmp1:
0x13: {  	_ = 	snop;
	(pc) =	sbr.rel @!p2 .LBB2_46-.Ltmp1, $1  }
0x14: {  	_ =	sdelay $0x3  }
.LBB2_1:
0x15: {  	[dreg:$0xa] =	wrdreg s1  }
0x16: {  	s0 =	rddreg [dreg:$0x4];
	s29 =	simm.s32 $0x400;
	s3 =	simm.s32 $0x7A1400  }
0x17: {  	[tilespmem:s5], [sflag:$0x1] =	stream.strided.gather [hbm4b:s0+s29], $0x1000, s3, s29, $0x38;
	[tilespmem:$0x6100] =	vst v63  }
0x18: {  	s30 =	rddreg [dreg:$0x5];
	s7 =	simm.s32 $0x1000;
	s31 =	simm.s32 $0x0  }
0x19: {  	[tilespmem:s7], [sflag:$0x2] =	stream.strided.gather [hbm4b:s30+s29], $0x1000, s3, s29, $0x38;
	[tilespmem:$0x6100] =	vst v63  }
.LBB2_2:
0x1a: {  	_ =	swait.ge [sflag:s19], $0x1000  }
0x1b: {  	p3 =	seq.s32 s31, $0x0;
	[sflag:s19] =	ssyncset.done $0x0  }
0x1c: {  	s0 =	simm.s32 @!p3 $0x3;
	[sflag:s19] =	ssyncadd.s32 $0xFFFFF000  }
0x1d: {  	_ =	swait.ge @!p3 [sflag:s0], $0x1000  }
0x1e: {  	[sflag:s0] =	ssyncset.done @!p3 $0x0  }
0x1f: {  	s30 =	simm.s32 $0x100;
	[sflag:s0] =	ssyncadd.s32 @!p3 $0xFFFFF000  }
0x20: {  	v4 =	vld [tilespmem:s30+$0x80]  }
0x21: {  	v6 =	vld [tilespmem:s30+$0x0]  }
0x22: {  	v5 =	vld [tilespmem:s30+$0xFFFFFF80]  }
0x23: {  	v7 =	vld [tilespmem:s30+$0xFFFFFF00]  }
0x24: {  	s3 =	simm.s32 $0x510A  }
0x25: {  	[tilespmem:s3+$0x85] =	vst v4  }
0x26: {  	[tilespmem:s3+$0x0] =	vst v6;
	v4 =	vld [tilespmem:s30+$0x90]  }
0x27: {  	[tilespmem:s3+$0xFFFFFF7B] =	vst v5;
	v6 =	vld [tilespmem:s30+$0x10]  }
0x28: {  	[tilespmem:s3+$0xFFFFFEF6] =	vst v7;
	v5 =	vld [tilespmem:s30+$0xFFFFFF90]  }
0x29: {  	v7 =	vld [tilespmem:s30+$0xFFFFFF10];
	_ =	sdelay $0x1  }
0x2a: {  	[tilespmem:s3+$0x95] =	vst v4  }
0x2b: {  	[tilespmem:s3+$0x10] =	vst v6;
	v4 =	vld [tilespmem:s30+$0xA0]  }
0x2c: {  	[tilespmem:s3+$0xFFFFFF8B] =	vst v5;
	v6 =	vld [tilespmem:s30+$0x20]  }
0x2d: {  	[tilespmem:s3+$0xFFFFFF06] =	vst v7;
	v5 =	vld [tilespmem:s30+$0xFFFFFFA0]  }
0x2e: {  	v7 =	vld [tilespmem:s30+$0xFFFFFF20];
	_ =	sdelay $0x1  }
0x2f: {  	[tilespmem:s3+$0xA5] =	vst v4  }
0x30: {  	[tilespmem:s3+$0x20] =	vst v6;
	v4 =	vld [tilespmem:s30+$0xB0]  }
0x31: {  	[tilespmem:s3+$0xFFFFFF9B] =	vst v5;
	v6 =	vld [tilespmem:s30+$0x30]  }
0x32: {  	[tilespmem:s3+$0xFFFFFF16] =	vst v7;
	v5 =	vld [tilespmem:s30+$0xFFFFFFB0]  }
0x33: {  	v7 =	vld [tilespmem:s30+$0xFFFFFF30];
	_ =	sdelay $0x1  }
0x34: {  	[tilespmem:s3+$0xB5] =	vst v4  }
0x35: {  	[tilespmem:s3+$0x30] =	vst v6;
	v4 =	vld [tilespmem:s30+$0xC0]  }
0x36: {  	[tilespmem:s3+$0xFFFFFFAB] =	vst v5;
	v6 =	vld [tilespmem:s30+$0x40]  }
0x37: {  	[tilespmem:s3+$0xFFFFFF26] =	vst v7;
	v5 =	vld [tilespmem:s30+$0xFFFFFFC0]  }
0x38: {  	v7 =	vld [tilespmem:s30+$0xFFFFFF40]  }
0x39: {  	s12 =	simm.s32 $0x300  }
0x3a: {  	v8 =	vld [tilespmem:s12+$0x80];
	[tilespmem:s3+$0xC5] =	vst v4  }
0x3b: {  	[tilespmem:s3+$0x40] =	vst v6;
	v6 =	vld [tilespmem:s12+$0xFFFFFF80]  }
0x3c: {  	[tilespmem:s3+$0xFFFFFFBB] =	vst v5;
	v4 =	vld [tilespmem:s30+$0xD0]  }
0x3d: {  	[tilespmem:s3+$0xFFFFFF36] =	vst v7;
	v7 =	vld [tilespmem:s12+$0x0]  }
0x3e: {  	s14 =	simm.s32 $0x531E;
	v5 =	vld [tilespmem:s30+$0xFFFFFFD0]  }
0x3f: {  	v9 =	vld [tilespmem:s12+$0xFFFFFF00];
	[tilespmem:s14+$0x85] =	vst v8  }
0x40: {  	[tilespmem:s14+$0xFFFFFF7B] =	vst v6;
	v6 =	vld [tilespmem:s12+$0x90]  }
0x41: {  	[tilespmem:s3+$0xD5] =	vst v4;
	v8 =	vld [tilespmem:s12+$0xFFFFFF90]  }
0x42: {  	[tilespmem:s14+$0x0] =	vst v7;
	v4 =	vld [tilespmem:s30+$0xE0]  }
0x43: {  	[tilespmem:s3+$0xFFFFFFCB] =	vst v5;
	v5 =	vld [tilespmem:s30+$0xFFFFFF50]  }
0x44: {  	[tilespmem:s14+$0xFFFFFEF6] =	vst v9;
	v7 =	vld [tilespmem:s12+$0x10]  }
0x45: {  	v9 =	vld [tilespmem:s12+$0xFFFFFF10];
	[tilespmem:s14+$0x95] =	vst v6  }
0x46: {  	[tilespmem:s14+$0xFFFFFF8B] =	vst v8;
	v6 =	vld [tilespmem:s12+$0xA0]  }
0x47: {  	[tilespmem:s3+$0xE5] =	vst v4;
	v8 =	vld [tilespmem:s12+$0xFFFFFFA0]  }
0x48: {  	[tilespmem:s3+$0xFFFFFF46] =	vst v5;
	v4 =	vld [tilespmem:s30+$0xF0]  }
0x49: {  	v5 =	vld [tilespmem:s30+$0x50];
	[tilespmem:s14+$0x10] =	vst v7  }
0x4a: {  	[tilespmem:s14+$0xFFFFFF06] =	vst v9;
	v7 =	vld [tilespmem:s12+$0x20]  }
0x4b: {  	v9 =	vld [tilespmem:s12+$0xFFFFFF20];
	[tilespmem:s14+$0xA5] =	vst v6  }
0x4c: {  	[tilespmem:s14+$0xFFFFFF9B] =	vst v8;
	v6 =	vld [tilespmem:s12+$0xB0]  }
0x4d: {  	[tilespmem:s3+$0xF5] =	vst v4;
	v4 =	vld [tilespmem:s30+$0xFFFFFF60]  }
0x4e: {  	[tilespmem:s3+$0x50] =	vst v5;
	v8 =	vld [tilespmem:s12+$0xFFFFFFB0]  }
0x4f: {  	v5 =	vld [tilespmem:s30+$0xFFFFFFE0];
	[tilespmem:s14+$0x20] =	vst v7  }
0x50: {  	[tilespmem:s14+$0xFFFFFF16] =	vst v9;
	v7 =	vld [tilespmem:s12+$0x30]  }
0x51: {  	v9 =	vld [tilespmem:s12+$0xFFFFFF30];
	[tilespmem:s14+$0xB5] =	vst v6  }
0x52: {  	[tilespmem:s3+$0xFFFFFF56] =	vst v4;
	v4 =	vld [tilespmem:s30+$0x60]  }
0x53: {  	[tilespmem:s14+$0xFFFFFFAB] =	vst v8;
	v8 =	vld [tilespmem:s12+$0xC0]  }
0x54: {  	[tilespmem:s3+$0xFFFFFFDB] =	vst v5;
	v5 =	vld [tilespmem:s30+$0xFFFFFF70]  }
0x55: {  	[tilespmem:s14+$0x30] =	vst v7;
	v10 =	vld [tilespmem:s12+$0xFFFFFFC0]  }
0x56: {  	[tilespmem:s14+$0xFFFFFF26] =	vst v9;
	v9 =	vld [tilespmem:s12+$0x40]  }
0x57: {  	v6 =	vld [tilespmem:s12+$0xFFFFFF40];
	[tilespmem:s3+$0x60] =	vst v4  }
0x58: {  	v4 =	vld [tilespmem:s30+$0xFFFFFFF0];
	[tilespmem:s14+$0xC5] =	vst v8  }
0x59: {  	[tilespmem:s3+$0xFFFFFF66] =	vst v5;
	v5 =	vld [tilespmem:s30+$0x70]  }
0x5a: {  	s1 =	sshll.u32 s31, $0x1;
	[tilespmem:s14+$0xFFFFFFBB] =	vst v10;
	v7 =	vld [tilespmem:s12+$0xD0]  }
0x5b: {  	s7 =	simm.s32 $0x4;
	s8 =	simm.s32 $0x500;
	s0 =	sadd.s32 s6, s1;
	[tilespmem:s14+$0x40] =	vst v9;
	v8 =	vld [tilespmem:s12+$0xFFFFFFD0]  }
.LBB2_3:
0x5c: {  	v9 =	vld [tilespmem:s8+$0x80];
	s7 =	sadd.s32 $0x4, s7;
	[tilespmem:s14+$0xFFFFFF36] =	vst v6  }
0x5d: {  	v6 =	vld [tilespmem:s8+$0xFFFFFF80];
	p2 =	slt.u32 s7, $0x1C;
	[tilespmem:s3+$0xFFFFFFEB] =	vst v4  }
0x5e: {  	v4 =	vld [tilespmem:s8+$0x0];
	[tilespmem:s3+$0x70] =	vst v5;
	s3 =	smov.u32 s14  }
0x5f: {  	v5 =	vld [tilespmem:s8+$0xFFFFFF00];
	[tilespmem:s14+$0xD5] =	vst v7  }
0x60: {  	s14 =	sadd.s32 $0x214, s14;
	[tilespmem:s3+$0xFFFFFFCB] =	vst v8;
	v7 =	vld [tilespmem:s12+$0xE0]  }
0x61: {  	[tilespmem:s14+$0x85] =	vst v9;
	v8 =	vld [tilespmem:s12+$0xFFFFFF50]  }
0x62: {  	[tilespmem:s14+$0xFFFFFF7B] =	vst v6;
	v6 =	vld [tilespmem:s8+$0x90]  }
0x63: {  	v9 =	vld [tilespmem:s8+$0xFFFFFF90];
	[tilespmem:s14+$0x0] =	vst v4  }
0x64: {  	[tilespmem:s14+$0xFFFFFEF6] =	vst v5;
	v4 =	vld [tilespmem:s8+$0x10]  }
0x65: {  	v5 =	vld [tilespmem:s8+$0xFFFFFF10];
	[tilespmem:s3+$0xE5] =	vst v7  }
0x66: {  	[tilespmem:s3+$0xFFFFFF46] =	vst v8;
	v7 =	vld [tilespmem:s12+$0xF0]  }
0x67: {  	[tilespmem:s14+$0x95] =	vst v6;
	v6 =	vld [tilespmem:s12+$0x50]  }
0x68: {  	[tilespmem:s14+$0xFFFFFF8B] =	vst v9;
	v8 =	vld [tilespmem:s8+$0xA0]  }
0x69: {  	v9 =	vld [tilespmem:s8+$0xFFFFFFA0];
	[tilespmem:s14+$0x10] =	vst v4  }
0x6a: {  	[tilespmem:s14+$0xFFFFFF06] =	vst v5;
	v4 =	vld [tilespmem:s8+$0x20]  }
0x6b: {  	v5 =	vld [tilespmem:s8+$0xFFFFFF20];
	[tilespmem:s3+$0xF5] =	vst v7  }
0x6c: {  	v7 =	vld [tilespmem:s12+$0xFFFFFF60];
	[tilespmem:s3+$0x50] =	vst v6  }
0x6d: {  	[tilespmem:s14+$0xA5] =	vst v8;
	v6 =	vld [tilespmem:s12+$0xFFFFFFE0]  }
0x6e: {  	[tilespmem:s14+$0xFFFFFF9B] =	vst v9;
	v8 =	vld [tilespmem:s8+$0xB0]  }
0x6f: {  	v9 =	vld [tilespmem:s8+$0xFFFFFFB0];
	[tilespmem:s14+$0x20] =	vst v4  }
0x70: {  	[tilespmem:s14+$0xFFFFFF16] =	vst v5;
	v4 =	vld [tilespmem:s8+$0x30]  }
0x71: {  	v5 =	vld [tilespmem:s8+$0xFFFFFF30];
	[tilespmem:s3+$0xFFFFFF56] =	vst v7  }
0x72: {  	[tilespmem:s3+$0xFFFFFFDB] =	vst v6;
	v7 =	vld [tilespmem:s12+$0x60]  }
0x73: {  	[tilespmem:s14+$0xB5] =	vst v8;
	v8 =	vld [tilespmem:s12+$0xFFFFFF70]  }
0x74: {  	[tilespmem:s14+$0xFFFFFFAB] =	vst v9;
	v9 =	vld [tilespmem:s8+$0xC0]  }
0x75: {  	v10 =	vld [tilespmem:s8+$0xFFFFFFC0];
	[tilespmem:s14+$0x30] =	vst v4  }
0x76: {  	[tilespmem:s14+$0xFFFFFF26] =	vst v5;
	v11 =	vld [tilespmem:s8+$0x40]  }
.Ltmp2:
0x77: {  	v6 =	vld [tilespmem:s8+$0xFFFFFF40];
	[tilespmem:s3+$0x60] =	vst v7;
	(pc) =	sbr.rel @p2 .LBB2_3-.Ltmp2, $4  }
0x78: {  	[tilespmem:s3+$0xFFFFFF66] =	vst v8;
	v4 =	vld [tilespmem:s12+$0xFFFFFFF0]  }
0x79: {  	[tilespmem:s14+$0xC5] =	vst v9;
	v5 =	vld [tilespmem:s12+$0x70];
	s12 =	smov.u32 s8  }
0x7a: {  	[tilespmem:s14+$0xFFFFFFBB] =	vst v10;
	v7 =	vld [tilespmem:s8+$0xD0]  }
0x7b: {  	s8 =	sadd.s32 $0x200, s8;
	v8 =	vld [tilespmem:s12+$0xFFFFFFD0];
	[tilespmem:s14+$0x40] =	vst v11  }
0x7c: {  	[tilespmem:s14+$0xFFFFFF36] =	vst v6;
	v9 =	vld [tilespmem:s12+$0x50]  }
0x7d: {  	v6 =	vld [tilespmem:s12+$0xFFFFFF50];
	_ =	sdelay $0x1  }
0x7e: {  	[tilespmem:s14+$0xD5] =	vst v7  }
0x7f: {  	v7 =	vld [tilespmem:s12+$0xE0];
	[tilespmem:s14+$0xFFFFFFCB] =	vst v8  }
0x80: {  	[tilespmem:s14+$0x50] =	vst v9;
	v8 =	vld [tilespmem:s12+$0xFFFFFFE0]  }
0x81: {  	[tilespmem:s14+$0xFFFFFF46] =	vst v6;
	v9 =	vld [tilespmem:s12+$0x60]  }
0x82: {  	v6 =	vld [tilespmem:s12+$0xFFFFFF60];
	_ =	sdelay $0x1  }
0x83: {  	[tilespmem:s14+$0xE5] =	vst v7  }
0x84: {  	[tilespmem:s14+$0xFFFFFFDB] =	vst v8  }
0x85: {  	[tilespmem:s14+$0x60] =	vst v9;
	v8 =	vld [tilespmem:s12+$0xFFFFFFF0]  }
0x86: {  	[tilespmem:s14+$0xFFFFFF56] =	vst v6;
	v6 =	vld [tilespmem:s12+$0xF0]  }
0x87: {  	[tilespmem:s3+$0xFFFFFFEB] =	vst v4;
	v4 =	vld [tilespmem:s12+$0x70]  }
0x88: {  	p6 =	por $0x1, $0x1;
	v7 =	vld [tilespmem:s12+$0xFFFFFF70]  }
.Ltmp3:
0x89: {  	[tilespmem:s3+$0x70] =	vst v5;
	(pc) =	sbr.rel @!p6 .LBB2_5-.Ltmp3, $4  }
0x8a: {  	s18 =	simm.s32 $0x0;
	[tilespmem:s14+$0xFFFFFFEB] =	vst v8  }
0x8b: {  	s29 =	simm.s32 $0x60;
	s24 =	simm.s32 $0x1;
	s25 =	simm.s32 $0x2;
	[tilespmem:s14+$0xF5] =	vst v6  }
0x8c: {  	s8 =	simm.s32 $0x3;
	s26 =	simm.s32 $0x4;
	p4 =	por $0x0, $0x0;
	[tilespmem:s14+$0x70] =	vst v4  }
0x8d: {  	p2 =	por $0x0, $0x0;
	p5 =	por $0x0, $0x0;
	v12 =	vadd.s32 s24, v0;
	v10 =	vadd.s32 s25, v0;
	s3 =	simm.s32 $0x2040;
	v4 =	vadd.s32 s18, v0;
	[tilespmem:s14+$0xFFFFFF66] =	vst v7  }
0x8e: {  	_ =	sdelay $0x1  }
0x8f: {  	v5 =	vadd.s32 s8, v0;
	p6 =	por $0x1, $0x1  }
.Ltmp4:
0x90: {  	_ = 	snop;
	(pc) =	sbr.rel @!p6 .LBB2_7-.Ltmp4, $4  }
0x91: {  	v7 =	vld.idx.msk [tilespmem:v4+s20+$0x0], $0xffff  }
0x92: {  	v9 =	vld.idx.msk [tilespmem:v12+s20+$0x0], $0xffff  }
0x93: {  	v11 =	vld.idx.msk [tilespmem:v10+s20+$0x0], $0xffff;
	v4 =	vadd.s32 s26, v0;
	s23 =	simm.s32 $0x5;
	s21 =	simm.s32 $0x6  }
0x94: {  	s7 =	simm.s32 $0x7;
	s15 =	simm.s32 $0x8;
	v15 =	vadd.s32 s8, v2;
	p4 =	por $0x1, $0x1;
	v12 =	vadd.s32 s23, v0;
	v10 =	vadd.s32 s21, v0;
	v13 =	vld.idx.msk [tilespmem:v5+s20+$0x0], $0xffff  }
0x95: {  	_ =	sdelay $0x2  }
0x96: {  	v5 =	vadd.s32 s7, v0  }
0x97: {  	v22 =	vld.idx.msk [tilespmem:v4+s20+$0x0], $0xffff;
	v8 =	vadd.s32 s24, v2  }
0x98: {  	v17 =	vld.idx.msk [tilespmem:v12+s20+$0x0], $0xffff;
	v16 =	vadd.s32 s25, v2;
	p6 =	por $0x1, $0x1  }
.Ltmp5:
0x99: {  	v19 =	vld.idx.msk [tilespmem:v10+s20+$0x0], $0xffff;
	[tilespmem:s3+$0x20] =	vst v13;
	(pc) =	sbr.rel @!p6 .LBB2_9-.Ltmp5, $4  }
0x9a: {  	v6 =	vld.idx.msk [tilespmem:v15+s20+$0x0], $0xffff  }
0x9b: {  	v14 =	vadd.s32 s18, v2;
	s24 =	simm.s32 $0x9;
	[tilespmem:s3+$0xFFFFFFE0] =	vst v9;
	v13 =	vld.idx.msk [tilespmem:v5+s20+$0x0], $0xffff  }
0x9c: {  	v4 =	vadd.s32 s15, v0;
	s25 =	simm.s32 $0xA;
	v12 =	vadd.s32 s24, v0;
	[tilespmem:s3+$0x0] =	vst v11;
	v5 =	vld.idx.msk [tilespmem:v8+s20+$0x0], $0xffff  }
0x9d: {  	s8 =	simm.s32 $0xB;
	s18 =	simm.s32 $0xC;
	p2 =	por $0x1, $0x1;
	v10 =	vadd.s32 s25, v0;
	[tilespmem:s3+$0xFFFFFFC0] =	vst v7;
	v15 =	vadd.s32 s7, v2;
	v8 =	vld.idx.msk [tilespmem:v16+s20+$0x0], $0xffff  }
0x9e: {  	_ =	sdelay $0x3  }
0x9f: {  	v20 =	vadd.s32 s8, v0;
	v18 =	vld.idx.msk [tilespmem:v14+s20+$0x0], $0xffff  }
0xa0: {  	v7 =	vld.idx.msk [tilespmem:v4+s20+$0x0], $0xffff;
	v21 =	vadd.s32 s23, v2;
	s7 =	sor.u32 $0x70, s29  }
0xa1: {  	v9 =	vld.idx.msk [tilespmem:v12+s20+$0x0], $0xffff;
	v23 =	vadd.s32 s21, v2;
	s14 =	simm.s32 $0x20C0;
	p6 =	por $0x1, $0x1;
	[tilespmem:s7+$0x2000] =	vst v6  }
.Ltmp6:
0xa2: {  	v11 =	vld.idx.msk [tilespmem:v10+s20+$0x0], $0xffff;
	v16 =	vadd.s32 s26, v2;
	[tilespmem:s14+$0x20] =	vst v13;
	(pc) =	sbr.rel @!p6 .LBB2_11-.Ltmp6, $4  }
0xa3: {  	s23 =	simm.s32 $0x20;
	s12 =	simm.s32 $0x40;
	s13 =	simm.s32 $0xD;
	v4 =	vadd.s32 s18, v0;
	[tilespmem:s14+$0xFFFFFFE0] =	vst v17;
	v17 =	vld.idx.msk [tilespmem:v15+s20+$0x0], $0xffff  }
0xa4: {  	s26 =	simm.s32 $0xF;
	s16 =	sor.u32 $0x50, s12;
	s12 =	simm.s32 $0xE;
	[tilespmem:s14+$0x0] =	vst v19;
	v12 =	vadd.s32 s13, v0;
	v13 =	vld.idx.msk [tilespmem:v20+s20+$0x0], $0xffff  }
0xa5: {  	s21 =	simm.s32 $0x10;
	p5 =	por $0x1, $0x1;
	s7 =	sor.u32 $0x30, s23;
	[tilespmem:s14+$0xFFFFFFC0] =	vst v22;
	v10 =	vadd.s32 s12, v0;
	v19 =	vld.idx.msk [tilespmem:v21+s20+$0x0], $0xffff  }
0xa6: {  	s30 =	simm.s32 $0x2040;
	s17 =	simm.s32 $0x20C0;
	v15 =	vadd.s32 s8, v2;
	[tilespmem:s7+$0x2000] =	vst v5;
	s7 =	simm.s32 $0x60;
	v20 =	vld.idx.msk [tilespmem:v23+s20+$0x0], $0xffff;
	v21 =	vmov v8  }
.LBB2_12:
0xa7: {  	p6 =	slt.u32 s21, $0x7C;
	v22 =	vadd.s32 s26, v0;
	v23 =	vld.idx.msk [tilespmem:v16+s20+$0x0], $0xffff;
	[tilespmem:s16+$0x2000] =	vst v21;
	s7 =	sadd.s32 $0x80, s7;
	v21 =	vmov v9  }
0xa8: {  	v25 =	vadd.s32 s24, v2;
	v24 =	vld.idx.msk [tilespmem:v4+s20+$0x0], $0xffff;
	s8 =	sadd.s32 $0xFFFFFFC0, s7;
	s16 =	sadd.s32 $0xFFFFFFE0, s7;
	s23 =	sor.u32 $0x70, s7;
	[tilespmem:s30+$0xFFFFFFD0] =	vst v18;
	v18 =	vmov v11  }
0xa9: {  	v26 =	vadd.s32 s25, v2;
	s14 =	sadd.s32 $0x80, s14;
	v9 =	vld.idx.msk [tilespmem:v12+s20+$0x0], $0xffff;
	s8 =	sor.u32 $0x30, s8;
	s16 =	sor.u32 $0x50, s16;
	[tilespmem:s23+$0x2000] =	vst v17  }
.Ltmp7:
0xaa: {  	v16 =	vadd.s32 s15, v2;
	s30 =	smov.u32 s17;
	s17 =	smov.u32 s14;
	v11 =	vld.idx.msk [tilespmem:v10+s20+$0x0], $0xffff;
	[tilespmem:s14+$0x20] =	vst v13;
	(pc) =	sbr.rel @p6 .LBB2_12-.Ltmp7, $4  }
0xab: {  	s24 =	smov.u32 s13;
	s13 =	sadd.s32 $0x1, s21;
	s25 =	smov.u32 s12;
	v4 =	vadd.s32 s21, v0;
	v27 =	vmov v19;
	[tilespmem:s14+$0xFFFFFFE0] =	vst v21;
	v17 =	vld.idx.msk [tilespmem:v15+s20+$0x0], $0xffff  }
0xac: {  	s12 =	sadd.s32 $0x2, s21;
	s15 =	smov.u32 s18;
	s18 =	smov.u32 s21;
	v12 =	vadd.s32 s13, v0;
	v21 =	vmov v20;
	v13 =	vld.idx.msk [tilespmem:v22+s20+$0x0], $0xffff;
	[tilespmem:s14+$0x0] =	vst v18  }
0xad: {  	v10 =	vadd.s32 s12, v0;
	v18 =	vmov v23;
	[tilespmem:s14+$0xFFFFFFC0] =	vst v7;
	v19 =	vld.idx.msk [tilespmem:v25+s20+$0x0], $0xffff  }
0xae: {  	s21 =	sadd.s32 $0x4, s21;
	v15 =	vadd.s32 s26, v2;
	s26 =	sadd.s32 $0x3, s18;
	v7 =	vmov v24;
	v20 =	vld.idx.msk [tilespmem:v26+s20+$0x0], $0xffff;
	[tilespmem:s8+$0x2000] =	vst v27  }
0xaf: {  	s23 =	smov.u32 s24;
	s21 =	smov.u32 s25;
	s8 =	smov.u32 s26  }
0xb0: {  	s26 =	smov.u32 s15;
	s24 =	smov.u32 s13;
	s25 =	smov.u32 s12  }
.LBB2_14:
0xb1: {  	_ =	sdelay $0x1  }
0xb2: {  	[tilespmem:s16+$0x2000] =	vst @p5 v21;
	s13 =	sadd.s32 @p2 $0x80, s14;
	s14 =	smov.u32 s3  }
0xb3: {  	s7 =	sadd.s32 @p5 $0x80, s7;
	s12 =	simm.s32 $0x60;
	[tilespmem:s30+$0xFFFFFFD0] =	vst @p5 v18;
	s14 =	smov.u32 @p2 s13  }
0xb4: {  	v60 =	vadd.s32 s8, v0;
	v16 =	vld.idx.msk @p2 [tilespmem:v16+s20+$0x0], $0xffff;
	s12 =	smov.u32 @p5 s7;
	[tilespmem:s14+$0x20] =	vst @p4 v13  }
0xb5: {  	v18 =	vadd.s32 @p4 s23, v2;
	v12 =	vld.idx.msk [tilespmem:v12+s20+$0x0], $0xffff;
	s7 =	sor.u32 @p2 $0x70, s12;
	v13 =	vadd.s32 @p4 s26, v2;
	[tilespmem:s14+$0xFFFFFFE0] =	vst @p4 v9  }
0xb6: {  	v10 =	vld.idx.msk [tilespmem:v10+s20+$0x0], $0xffff;
	[tilespmem:s7+$0x2000] =	vst @p2 v17;
	v17 =	vadd.s32 @p4 s21, v2  }
0xb7: {  	[tilespmem:s14+$0x0] =	vst @p4 v11;
	v9 =	vld.idx.msk @p4 [tilespmem:v15+s20+$0x0], $0xffff;
	s7 =	sadd.s32 @p2 $0xFFFFFFC0, s12;
	v11 =	vpsel p4, v13, v14  }
0xb8: {  	s15 =	smov.u32 @p2 s17;
	v4 =	vld.idx.msk [tilespmem:v4+s20+$0x0], $0xffff;
	s13 =	sadd.s32 @p2 $0xFFFFFFE0, s12;
	[tilespmem:s14+$0xFFFFFFC0] =	vst @p4 v7;
	s7 =	sor.u32 @p2 $0x30, s7;
	v13 =	vmov @p2 v19  }
0xb9: {  	v62 =	vadd.s32 s8, v2;
	s8 =	smov.u32 @p2 s15;
	s13 =	sor.u32 @p2 $0x50, s13;
	v15 =	vmov @p2 v20;
	s12 =	sadd.s32 @p2 $0x80, s12;
	v61 =	vld.idx.msk [tilespmem:v60+s20+$0x0], $0xffff;
	v16 =	vpsel p2, v16, v0;
	[tilespmem:s7+$0x2000] =	vst @p2 v13  }
0xba: {  	v63 =	vadd.s32 s25, v2;
	v7 =	vld.idx.msk @p4 [tilespmem:v18+s20+$0x0], $0xffff;
	v13 =	vpsel p2, v15, v0;
	s7 =	smov.u32 @p2 s13;
	s13 =	simm.s32 $0x60;
	[tilespmem:s8+$0xFFFFFFD0] =	vst @p2 v16;
	s8 =	sadd.s32 @p4 $0x80, s14  }
0xbb: {  	[tilespmem:s7+$0x2000] =	vst @p2 v13;
	s13 =	smov.u32 @p2 s12;
	s7 =	smov.u32 s3;
	s3 =	smov.u32 @p4 s8;
	v17 =	vld.idx.msk @p4 [tilespmem:v17+s20+$0x0], $0xffff  }
0xbc: {  	v6 =	vpsel p4, v9, v6;
	v9 =	vadd.s32 s24, v2;
	s12 =	sor.u32 @p4 $0x70, s13;
	v11 =	vld.idx.msk @p4 [tilespmem:v11+s20+$0x0], $0xffff;
	[tilespmem:s3+$0xFFFFFFE0] =	vst v12  }
0xbd: {  	[tilespmem:s12+$0x2000] =	vst @p4 v6;
	v6 =	vadd.s32 s18, v2  }
0xbe: {  	s8 =	smov.u32 @p4 s14;
	s14 =	sadd.s32 @p4 $0xFFFFFFE0, s13;
	[tilespmem:s3+$0x0] =	vst v10;
	s12 =	sadd.s32 @p4 $0xFFFFFFC0, s13  }
0xbf: {  	s7 =	smov.u32 @p4 s8;
	v10 =	vld.idx.msk [tilespmem:v63+s20+$0x0], $0xffff;
	[tilespmem:s3+$0x20] =	vst v61;
	v5 =	vpsel p4, v7, v5;
	s8 =	sor.u32 @p4 $0x30, s12;
	s12 =	sor.u32 @p4 $0x50, s14  }
0xc0: {  	[tilespmem:s8+$0x2000] =	vst @p4 v5;
	s8 =	smov.u32 @p4 s12;
	s12 =	sadd.s32 @p4 $0x80, s13;
	v7 =	vpsel p4, v17, v8;
	v8 =	vld.idx.msk [tilespmem:v62+s20+$0x0], $0xffff  }
0xc1: {  	[tilespmem:s3+$0xFFFFFFC0] =	vst v4;
	s29 =	smov.u32 @p4 s12;
	v4 =	vld.idx.msk [tilespmem:v9+s20+$0x0], $0xffff;
	v9 =	vmov @p4 v11;
	v5 =	vpsel p4, v7, v0  }
0xc2: {  	p2 =	seq.s32 s31, $0x79;
	s7 =	smov.u32 @p4 s7;
	s25 =	sadd.s32 $0xFFFFFFE0, s29;
	v7 =	vpsel p4, v9, v0;
	v6 =	vld.idx.msk [tilespmem:v6+s20+$0x0], $0xffff;
	[tilespmem:s8+$0x2000] =	vst @p4 v5  }
0xc3: {  	s26 =	sor.u32 $0x50, s25;
	[tilespmem:s7+$0xFFFFFFD0] =	vst @p4 v7;
	s7 =	sadd.s32 @!p2 s1, s9  }
0xc4: {  	s24 =	sadd.s32 $0xFFFFFFC0, s29;
	s12 =	sor.u32 $0x70, s29;
	[tilespmem:s26+$0x2000] =	vst v10;
	s7 =	sshll.u32 @!p2 s7, $0x7  }
0xc5: {  	s0 =	sshll.u32 s0, $0x9;
	s8 =	sor.u32 $0x30, s24;
	s7 =	sand.u32 @!p2 $0x1FFFFF80, s7;
	[tilespmem:s12+$0x2000] =	vst v8  }
0xc6: {  	s0 =	sand.u32 $0x1FFFFE00, s0;
	[tilespmem:s8+$0x2000] =	vst v4;
	s7 =	sadd.s32 @!p2 s2, s7  }
0xc7: {  	s8 =	simm.s32 @!p2 $0x7A1400;
	s12 =	simm.s32 @!p2 $0x0;
	[tilespmem:s3+$0xFFFFFFD0] =	vst v6;
	s3 =	simm.s32 @!p2 $0x400  }
0xc8: {  	[tilespmem:s12], [sflag:$0x1] =	stream.strided.gather @!p2 [hbm4b:s7+s3], $0x1000, s8, s3, $0x38;
	[tilespmem:$0x6100] =	vst v63  }
0xc9: {  	s0 =	sadd.s32 s4, s0;
	s29 =	simm.s32 $0x2000  }
0xca: {  	[hbm4b:s0+s5] =	stream.linear.scatter [tilespmem:s29], [sflag:$0x3], $0x1000, $0x38;
	[tilespmem:$0x6100] =	vst v63  }
0xcb: {  	_ =	swait.ge [sflag:s22], $0x1000  }
0xcc: {  	[sflag:s22] =	ssyncset.done $0x0  }
0xcd: {  	s0 =	simm.s32 @!p3 $0x4;
	[sflag:s22] =	ssyncadd.s32 $0xFFFFF000  }
0xce: {  	_ =	swait.ge @!p3 [sflag:s0], $0x1000  }
0xcf: {  	[sflag:s0] =	ssyncset.done @!p3 $0x0  }
0xd0: {  	s30 =	simm.s32 $0x1100;
	[sflag:s0] =	ssyncadd.s32 @!p3 $0xFFFFF000  }
0xd1: {  	v4 =	vld [tilespmem:s30+$0x80]  }
0xd2: {  	v6 =	vld [tilespmem:s30+$0x0]  }
0xd3: {  	v5 =	vld [tilespmem:s30+$0xFFFFFF80]  }
0xd4: {  	v7 =	vld [tilespmem:s30+$0xFFFFFF00]  }
0xd5: {  	s3 =	simm.s32 $0x510A  }
0xd6: {  	[tilespmem:s3+$0x85] =	vst v4  }
0xd7: {  	[tilespmem:s3+$0x0] =	vst v6;
	v4 =	vld [tilespmem:s30+$0x90]  }
0xd8: {  	[tilespmem:s3+$0xFFFFFF7B] =	vst v5;
	v6 =	vld [tilespmem:s30+$0x10]  }
0xd9: {  	[tilespmem:s3+$0xFFFFFEF6] =	vst v7;
	v5 =	vld [tilespmem:s30+$0xFFFFFF90]  }
0xda: {  	v7 =	vld [tilespmem:s30+$0xFFFFFF10];
	_ =	sdelay $0x1  }
0xdb: {  	[tilespmem:s3+$0x95] =	vst v4  }
0xdc: {  	[tilespmem:s3+$0x10] =	vst v6;
	v4 =	vld [tilespmem:s30+$0xA0]  }
0xdd: {  	[tilespmem:s3+$0xFFFFFF8B] =	vst v5;
	v6 =	vld [tilespmem:s30+$0x20]  }
0xde: {  	[tilespmem:s3+$0xFFFFFF06] =	vst v7;
	v5 =	vld [tilespmem:s30+$0xFFFFFFA0]  }
0xdf: {  	v7 =	vld [tilespmem:s30+$0xFFFFFF20];
	_ =	sdelay $0x1  }
0xe0: {  	[tilespmem:s3+$0xA5] =	vst v4  }
0xe1: {  	[tilespmem:s3+$0x20] =	vst v6;
	v4 =	vld [tilespmem:s30+$0xB0]  }
0xe2: {  	[tilespmem:s3+$0xFFFFFF9B] =	vst v5;
	v6 =	vld [tilespmem:s30+$0x30]  }
0xe3: {  	[tilespmem:s3+$0xFFFFFF16] =	vst v7;
	v5 =	vld [tilespmem:s30+$0xFFFFFFB0]  }
0xe4: {  	v7 =	vld [tilespmem:s30+$0xFFFFFF30];
	_ =	sdelay $0x1  }
0xe5: {  	[tilespmem:s3+$0xB5] =	vst v4  }
0xe6: {  	[tilespmem:s3+$0x30] =	vst v6;
	v4 =	vld [tilespmem:s30+$0xC0]  }
0xe7: {  	[tilespmem:s3+$0xFFFFFFAB] =	vst v5;
	v6 =	vld [tilespmem:s30+$0x40]  }
0xe8: {  	[tilespmem:s3+$0xFFFFFF26] =	vst v7;
	v5 =	vld [tilespmem:s30+$0xFFFFFFC0]  }
0xe9: {  	v7 =	vld [tilespmem:s30+$0xFFFFFF40]  }
0xea: {  	s12 =	simm.s32 $0x1300  }
0xeb: {  	v8 =	vld [tilespmem:s12+$0x80];
	[tilespmem:s3+$0xC5] =	vst v4  }
0xec: {  	[tilespmem:s3+$0x40] =	vst v6;
	v6 =	vld [tilespmem:s12+$0xFFFFFF80]  }
0xed: {  	[tilespmem:s3+$0xFFFFFFBB] =	vst v5;
	v4 =	vld [tilespmem:s30+$0xD0]  }
0xee: {  	[tilespmem:s3+$0xFFFFFF36] =	vst v7;
	v7 =	vld [tilespmem:s12+$0x0]  }
0xef: {  	s14 =	simm.s32 $0x531E;
	v5 =	vld [tilespmem:s30+$0xFFFFFFD0]  }
0xf0: {  	v9 =	vld [tilespmem:s12+$0xFFFFFF00];
	[tilespmem:s14+$0x85] =	vst v8  }
0xf1: {  	[tilespmem:s14+$0xFFFFFF7B] =	vst v6;
	v6 =	vld [tilespmem:s12+$0x90]  }
0xf2: {  	[tilespmem:s3+$0xD5] =	vst v4;
	v8 =	vld [tilespmem:s12+$0xFFFFFF90]  }
0xf3: {  	[tilespmem:s14+$0x0] =	vst v7;
	v4 =	vld [tilespmem:s30+$0xE0]  }
0xf4: {  	[tilespmem:s3+$0xFFFFFFCB] =	vst v5;
	v5 =	vld [tilespmem:s30+$0xFFFFFF50]  }
0xf5: {  	[tilespmem:s14+$0xFFFFFEF6] =	vst v9;
	v7 =	vld [tilespmem:s12+$0x10]  }
0xf6: {  	v9 =	vld [tilespmem:s12+$0xFFFFFF10];
	[tilespmem:s14+$0x95] =	vst v6  }
0xf7: {  	[tilespmem:s14+$0xFFFFFF8B] =	vst v8;
	v6 =	vld [tilespmem:s12+$0xA0]  }
0xf8: {  	[tilespmem:s3+$0xE5] =	vst v4;
	v8 =	vld [tilespmem:s12+$0xFFFFFFA0]  }
0xf9: {  	[tilespmem:s3+$0xFFFFFF46] =	vst v5;
	v4 =	vld [tilespmem:s30+$0xF0]  }
0xfa: {  	v5 =	vld [tilespmem:s30+$0x50];
	[tilespmem:s14+$0x10] =	vst v7  }
0xfb: {  	[tilespmem:s14+$0xFFFFFF06] =	vst v9;
	v7 =	vld [tilespmem:s12+$0x20]  }
0xfc: {  	v9 =	vld [tilespmem:s12+$0xFFFFFF20];
	[tilespmem:s14+$0xA5] =	vst v6  }
0xfd: {  	[tilespmem:s14+$0xFFFFFF9B] =	vst v8;
	v6 =	vld [tilespmem:s12+$0xB0]  }
0xfe: {  	[tilespmem:s3+$0xF5] =	vst v4;
	v4 =	vld [tilespmem:s30+$0xFFFFFF60]  }
0xff: {  	[tilespmem:s3+$0x50] =	vst v5;
	v8 =	vld [tilespmem:s12+$0xFFFFFFB0]  }
0x100: {  	v5 =	vld [tilespmem:s30+$0xFFFFFFE0];
	[tilespmem:s14+$0x20] =	vst v7  }
0x101: {  	[tilespmem:s14+$0xFFFFFF16] =	vst v9;
	v7 =	vld [tilespmem:s12+$0x30]  }
0x102: {  	v9 =	vld [tilespmem:s12+$0xFFFFFF30];
	[tilespmem:s14+$0xB5] =	vst v6  }
0x103: {  	[tilespmem:s3+$0xFFFFFF56] =	vst v4;
	v4 =	vld [tilespmem:s30+$0x60]  }
0x104: {  	[tilespmem:s14+$0xFFFFFFAB] =	vst v8;
	v8 =	vld [tilespmem:s12+$0xC0]  }
0x105: {  	[tilespmem:s3+$0xFFFFFFDB] =	vst v5;
	v5 =	vld [tilespmem:s30+$0xFFFFFF70]  }
0x106: {  	[tilespmem:s14+$0x30] =	vst v7;
	v10 =	vld [tilespmem:s12+$0xFFFFFFC0]  }
0x107: {  	[tilespmem:s14+$0xFFFFFF26] =	vst v9;
	v9 =	vld [tilespmem:s12+$0x40]  }
0x108: {  	v6 =	vld [tilespmem:s12+$0xFFFFFF40];
	[tilespmem:s3+$0x60] =	vst v4  }
0x109: {  	v4 =	vld [tilespmem:s30+$0xFFFFFFF0];
	[tilespmem:s14+$0xC5] =	vst v8  }
0x10a: {  	[tilespmem:s3+$0xFFFFFF66] =	vst v5;
	v5 =	vld [tilespmem:s30+$0x70]  }
0x10b: {  	[tilespmem:s14+$0xFFFFFFBB] =	vst v10;
	v7 =	vld [tilespmem:s12+$0xD0]  }
0x10c: {  	s7 =	simm.s32 $0x4;
	s8 =	simm.s32 $0x1500;
	s0 =	sadd.s32 s1, s10;
	[tilespmem:s14+$0x40] =	vst v9;
	v8 =	vld [tilespmem:s12+$0xFFFFFFD0]  }
.LBB2_15:
0x10d: {  	v9 =	vld [tilespmem:s8+$0x80];
	s7 =	sadd.s32 $0x4, s7;
	[tilespmem:s14+$0xFFFFFF36] =	vst v6  }
0x10e: {  	v6 =	vld [tilespmem:s8+$0xFFFFFF80];
	p3 =	slt.u32 s7, $0x1C;
	[tilespmem:s3+$0xFFFFFFEB] =	vst v4  }
0x10f: {  	v4 =	vld [tilespmem:s8+$0x0];
	[tilespmem:s3+$0x70] =	vst v5;
	s3 =	smov.u32 s14  }
0x110: {  	v5 =	vld [tilespmem:s8+$0xFFFFFF00];
	[tilespmem:s14+$0xD5] =	vst v7  }
0x111: {  	s14 =	sadd.s32 $0x214, s14;
	[tilespmem:s3+$0xFFFFFFCB] =	vst v8;
	v7 =	vld [tilespmem:s12+$0xE0]  }
0x112: {  	[tilespmem:s14+$0x85] =	vst v9;
	v8 =	vld [tilespmem:s12+$0xFFFFFF50]  }
0x113: {  	[tilespmem:s14+$0xFFFFFF7B] =	vst v6;
	v6 =	vld [tilespmem:s8+$0x90]  }
0x114: {  	v9 =	vld [tilespmem:s8+$0xFFFFFF90];
	[tilespmem:s14+$0x0] =	vst v4  }
0x115: {  	[tilespmem:s14+$0xFFFFFEF6] =	vst v5;
	v4 =	vld [tilespmem:s8+$0x10]  }
0x116: {  	v5 =	vld [tilespmem:s8+$0xFFFFFF10];
	[tilespmem:s3+$0xE5] =	vst v7  }
0x117: {  	[tilespmem:s3+$0xFFFFFF46] =	vst v8;
	v7 =	vld [tilespmem:s12+$0xF0]  }
0x118: {  	[tilespmem:s14+$0x95] =	vst v6;
	v6 =	vld [tilespmem:s12+$0x50]  }
0x119: {  	[tilespmem:s14+$0xFFFFFF8B] =	vst v9;
	v8 =	vld [tilespmem:s8+$0xA0]  }
0x11a: {  	v9 =	vld [tilespmem:s8+$0xFFFFFFA0];
	[tilespmem:s14+$0x10] =	vst v4  }
0x11b: {  	[tilespmem:s14+$0xFFFFFF06] =	vst v5;
	v4 =	vld [tilespmem:s8+$0x20]  }
0x11c: {  	v5 =	vld [tilespmem:s8+$0xFFFFFF20];
	[tilespmem:s3+$0xF5] =	vst v7  }
0x11d: {  	v7 =	vld [tilespmem:s12+$0xFFFFFF60];
	[tilespmem:s3+$0x50] =	vst v6  }
0x11e: {  	[tilespmem:s14+$0xA5] =	vst v8;
	v6 =	vld [tilespmem:s12+$0xFFFFFFE0]  }
0x11f: {  	[tilespmem:s14+$0xFFFFFF9B] =	vst v9;
	v8 =	vld [tilespmem:s8+$0xB0]  }
0x120: {  	v9 =	vld [tilespmem:s8+$0xFFFFFFB0];
	[tilespmem:s14+$0x20] =	vst v4  }
0x121: {  	[tilespmem:s14+$0xFFFFFF16] =	vst v5;
	v4 =	vld [tilespmem:s8+$0x30]  }
0x122: {  	v5 =	vld [tilespmem:s8+$0xFFFFFF30];
	[tilespmem:s3+$0xFFFFFF56] =	vst v7  }
0x123: {  	[tilespmem:s3+$0xFFFFFFDB] =	vst v6;
	v7 =	vld [tilespmem:s12+$0x60]  }
0x124: {  	[tilespmem:s14+$0xB5] =	vst v8;
	v8 =	vld [tilespmem:s12+$0xFFFFFF70]  }
0x125: {  	[tilespmem:s14+$0xFFFFFFAB] =	vst v9;
	v9 =	vld [tilespmem:s8+$0xC0]  }
0x126: {  	v10 =	vld [tilespmem:s8+$0xFFFFFFC0];
	[tilespmem:s14+$0x30] =	vst v4  }
0x127: {  	[tilespmem:s14+$0xFFFFFF26] =	vst v5;
	v11 =	vld [tilespmem:s8+$0x40]  }
.Ltmp8:
0x128: {  	v6 =	vld [tilespmem:s8+$0xFFFFFF40];
	[tilespmem:s3+$0x60] =	vst v7;
	(pc) =	sbr.rel @p3 .LBB2_15-.Ltmp8, $4  }
0x129: {  	[tilespmem:s3+$0xFFFFFF66] =	vst v8;
	v4 =	vld [tilespmem:s12+$0xFFFFFFF0]  }
0x12a: {  	[tilespmem:s14+$0xC5] =	vst v9;
	v5 =	vld [tilespmem:s12+$0x70];
	s12 =	smov.u32 s8  }
0x12b: {  	[tilespmem:s14+$0xFFFFFFBB] =	vst v10;
	v7 =	vld [tilespmem:s8+$0xD0]  }
0x12c: {  	s8 =	sadd.s32 $0x200, s8;
	v8 =	vld [tilespmem:s12+$0xFFFFFFD0];
	[tilespmem:s14+$0x40] =	vst v11  }
0x12d: {  	[tilespmem:s14+$0xFFFFFF36] =	vst v6;
	v9 =	vld [tilespmem:s12+$0x50]  }
0x12e: {  	v6 =	vld [tilespmem:s12+$0xFFFFFF50];
	_ =	sdelay $0x1  }
0x12f: {  	[tilespmem:s14+$0xD5] =	vst v7  }
0x130: {  	v7 =	vld [tilespmem:s12+$0xE0];
	[tilespmem:s14+$0xFFFFFFCB] =	vst v8  }
0x131: {  	[tilespmem:s14+$0x50] =	vst v9;
	v8 =	vld [tilespmem:s12+$0xFFFFFFE0]  }
0x132: {  	[tilespmem:s14+$0xFFFFFF46] =	vst v6;
	v9 =	vld [tilespmem:s12+$0x60]  }
0x133: {  	v6 =	vld [tilespmem:s12+$0xFFFFFF60];
	_ =	sdelay $0x1  }
0x134: {  	[tilespmem:s14+$0xE5] =	vst v7  }
0x135: {  	[tilespmem:s14+$0xFFFFFFDB] =	vst v8  }
0x136: {  	[tilespmem:s14+$0x60] =	vst v9;
	v8 =	vld [tilespmem:s12+$0xFFFFFFF0]  }
0x137: {  	[tilespmem:s14+$0xFFFFFF56] =	vst v6;
	v6 =	vld [tilespmem:s12+$0xF0]  }
0x138: {  	[tilespmem:s3+$0xFFFFFFEB] =	vst v4;
	v4 =	vld [tilespmem:s12+$0x70]  }
0x139: {  	p6 =	por $0x1, $0x1;
	v7 =	vld [tilespmem:s12+$0xFFFFFF70]  }
.Ltmp9:
0x13a: {  	[tilespmem:s3+$0x70] =	vst v5;
	(pc) =	sbr.rel @!p6 .LBB2_17-.Ltmp9, $4  }
0x13b: {  	s18 =	simm.s32 $0x0;
	[tilespmem:s14+$0xFFFFFFEB] =	vst v8  }
0x13c: {  	s29 =	simm.s32 $0x60;
	s13 =	simm.s32 $0x1;
	s8 =	simm.s32 $0x3;
	[tilespmem:s14+$0xF5] =	vst v6  }
0x13d: {  	s15 =	simm.s32 $0x4;
	p3 =	por $0x0, $0x0;
	s12 =	simm.s32 $0x2;
	[tilespmem:s14+$0x70] =	vst v4  }
0x13e: {  	p4 =	por $0x0, $0x0;
	p5 =	por $0x0, $0x0;
	v12 =	vadd.s32 s13, v0;
	s3 =	simm.s32 $0x3040;
	v10 =	vadd.s32 s12, v0;
	v4 =	vadd.s32 s18, v0;
	[tilespmem:s14+$0xFFFFFF66] =	vst v7  }
0x13f: {  	_ =	sdelay $0x1  }
0x140: {  	v5 =	vadd.s32 s8, v0;
	p6 =	por $0x1, $0x1  }
.Ltmp10:
0x141: {  	_ = 	snop;
	(pc) =	sbr.rel @!p6 .LBB2_19-.Ltmp10, $4  }
0x142: {  	v7 =	vld.idx.msk [tilespmem:v4+s20+$0x0], $0xffff  }
0x143: {  	v9 =	vld.idx.msk [tilespmem:v12+s20+$0x0], $0xffff  }
0x144: {  	v11 =	vld.idx.msk [tilespmem:v10+s20+$0x0], $0xffff;
	v4 =	vadd.s32 s15, v0;
	s24 =	simm.s32 $0x5;
	s25 =	simm.s32 $0x6  }
0x145: {  	s7 =	simm.s32 $0x7;
	s26 =	simm.s32 $0x8;
	v15 =	vadd.s32 s8, v2;
	p3 =	por $0x1, $0x1;
	v12 =	vadd.s32 s24, v0;
	v10 =	vadd.s32 s25, v0;
	v13 =	vld.idx.msk [tilespmem:v5+s20+$0x0], $0xffff  }
0x146: {  	_ =	sdelay $0x2  }
0x147: {  	v5 =	vadd.s32 s7, v0  }
0x148: {  	v22 =	vld.idx.msk [tilespmem:v4+s20+$0x0], $0xffff;
	v8 =	vadd.s32 s13, v2  }
0x149: {  	v17 =	vld.idx.msk [tilespmem:v12+s20+$0x0], $0xffff;
	v16 =	vadd.s32 s12, v2;
	p6 =	por $0x1, $0x1  }
.Ltmp11:
0x14a: {  	v19 =	vld.idx.msk [tilespmem:v10+s20+$0x0], $0xffff;
	[tilespmem:s3+$0x20] =	vst v13;
	(pc) =	sbr.rel @!p6 .LBB2_21-.Ltmp11, $4  }
0x14b: {  	v6 =	vld.idx.msk [tilespmem:v15+s20+$0x0], $0xffff  }
0x14c: {  	v14 =	vadd.s32 s18, v2;
	s13 =	simm.s32 $0x9;
	[tilespmem:s3+$0xFFFFFFE0] =	vst v9;
	v13 =	vld.idx.msk [tilespmem:v5+s20+$0x0], $0xffff  }
0x14d: {  	v4 =	vadd.s32 s26, v0;
	s12 =	simm.s32 $0xA;
	v12 =	vadd.s32 s13, v0;
	[tilespmem:s3+$0x0] =	vst v11;
	v5 =	vld.idx.msk [tilespmem:v8+s20+$0x0], $0xffff  }
0x14e: {  	s8 =	simm.s32 $0xB;
	s18 =	simm.s32 $0xC;
	p4 =	por $0x1, $0x1;
	v10 =	vadd.s32 s12, v0;
	[tilespmem:s3+$0xFFFFFFC0] =	vst v7;
	v15 =	vadd.s32 s7, v2;
	v8 =	vld.idx.msk [tilespmem:v16+s20+$0x0], $0xffff  }
0x14f: {  	_ =	sdelay $0x3  }
0x150: {  	v20 =	vadd.s32 s8, v0;
	v18 =	vld.idx.msk [tilespmem:v14+s20+$0x0], $0xffff  }
0x151: {  	v7 =	vld.idx.msk [tilespmem:v4+s20+$0x0], $0xffff;
	v21 =	vadd.s32 s24, v2;
	s7 =	sor.u32 $0x70, s29  }
0x152: {  	v9 =	vld.idx.msk [tilespmem:v12+s20+$0x0], $0xffff;
	v23 =	vadd.s32 s25, v2;
	s14 =	simm.s32 $0x30C0;
	p6 =	por $0x1, $0x1;
	[tilespmem:s7+$0x3000] =	vst v6  }
.Ltmp12:
0x153: {  	v11 =	vld.idx.msk [tilespmem:v10+s20+$0x0], $0xffff;
	v16 =	vadd.s32 s15, v2;
	[tilespmem:s14+$0x20] =	vst v13;
	(pc) =	sbr.rel @!p6 .LBB2_23-.Ltmp12, $4  }
0x154: {  	s25 =	simm.s32 $0x20;
	s16 =	simm.s32 $0x40;
	s23 =	simm.s32 $0xD;
	v4 =	vadd.s32 s18, v0;
	[tilespmem:s14+$0xFFFFFFE0] =	vst v17;
	v17 =	vld.idx.msk [tilespmem:v15+s20+$0x0], $0xffff  }
0x155: {  	s21 =	simm.s32 $0xE;
	s15 =	simm.s32 $0xF;
	s24 =	simm.s32 $0x10;
	[tilespmem:s14+$0x0] =	vst v19;
	v12 =	vadd.s32 s23, v0;
	v13 =	vld.idx.msk [tilespmem:v20+s20+$0x0], $0xffff  }
0x156: {  	p5 =	por $0x1, $0x1;
	s30 =	simm.s32 $0x3040;
	s7 =	sor.u32 $0x30, s25;
	[tilespmem:s14+$0xFFFFFFC0] =	vst v22;
	v10 =	vadd.s32 s21, v0;
	v19 =	vld.idx.msk [tilespmem:v21+s20+$0x0], $0xffff  }
0x157: {  	s17 =	simm.s32 $0x30C0;
	s16 =	sor.u32 $0x50, s16;
	v15 =	vadd.s32 s8, v2;
	[tilespmem:s7+$0x3000] =	vst v5;
	s7 =	simm.s32 $0x60;
	v20 =	vld.idx.msk [tilespmem:v23+s20+$0x0], $0xffff;
	v21 =	vmov v8  }
.LBB2_24:
0x158: {  	p6 =	slt.u32 s24, $0x7C;
	v22 =	vadd.s32 s15, v0;
	v23 =	vld.idx.msk [tilespmem:v16+s20+$0x0], $0xffff;
	[tilespmem:s16+$0x3000] =	vst v21;
	s7 =	sadd.s32 $0x80, s7;
	v21 =	vmov v9  }
0x159: {  	v25 =	vadd.s32 s13, v2;
	v24 =	vld.idx.msk [tilespmem:v4+s20+$0x0], $0xffff;
	s8 =	sadd.s32 $0xFFFFFFC0, s7;
	s13 =	sadd.s32 $0xFFFFFFE0, s7;
	s25 =	sor.u32 $0x70, s7;
	[tilespmem:s30+$0xFFFFFFD0] =	vst v18;
	v18 =	vmov v11  }
0x15a: {  	v26 =	vadd.s32 s12, v2;
	s14 =	sadd.s32 $0x80, s14;
	v9 =	vld.idx.msk [tilespmem:v12+s20+$0x0], $0xffff;
	s8 =	sor.u32 $0x30, s8;
	s16 =	sor.u32 $0x50, s13;
	[tilespmem:s25+$0x3000] =	vst v17  }
.Ltmp13:
0x15b: {  	v16 =	vadd.s32 s26, v2;
	s30 =	smov.u32 s17;
	s17 =	smov.u32 s14;
	v11 =	vld.idx.msk [tilespmem:v10+s20+$0x0], $0xffff;
	[tilespmem:s14+$0x20] =	vst v13;
	(pc) =	sbr.rel @p6 .LBB2_24-.Ltmp13, $4  }
0x15c: {  	s12 =	smov.u32 s21;
	v4 =	vadd.s32 s24, v0;
	s13 =	smov.u32 s23;
	s23 =	sadd.s32 $0x1, s24;
	v27 =	vmov v19;
	[tilespmem:s14+$0xFFFFFFE0] =	vst v21;
	v17 =	vld.idx.msk [tilespmem:v15+s20+$0x0], $0xffff  }
0x15d: {  	s21 =	sadd.s32 $0x2, s24;
	s26 =	smov.u32 s18;
	s18 =	smov.u32 s24;
	v12 =	vadd.s32 s23, v0;
	v21 =	vmov v20;
	v13 =	vld.idx.msk [tilespmem:v22+s20+$0x0], $0xffff;
	[tilespmem:s14+$0x0] =	vst v18  }
0x15e: {  	v10 =	vadd.s32 s21, v0;
	v18 =	vmov v23;
	[tilespmem:s14+$0xFFFFFFC0] =	vst v7;
	v19 =	vld.idx.msk [tilespmem:v25+s20+$0x0], $0xffff  }
0x15f: {  	s24 =	sadd.s32 $0x4, s24;
	v15 =	vadd.s32 s15, v2;
	s15 =	sadd.s32 $0x3, s18;
	v7 =	vmov v24;
	v20 =	vld.idx.msk [tilespmem:v26+s20+$0x0], $0xffff;
	[tilespmem:s8+$0x3000] =	vst v27  }
0x160: {  	s24 =	smov.u32 s13;
	s25 =	smov.u32 s12;
	s8 =	smov.u32 s15  }
0x161: {  	s15 =	smov.u32 s26;
	s13 =	smov.u32 s23;
	s12 =	smov.u32 s21  }
.LBB2_26:
0x162: {  	_ =	sdelay $0x1  }
0x163: {  	[tilespmem:s16+$0x3000] =	vst @p5 v21;
	s14 =	sadd.s32 @p4 $0x80, s14;
	s16 =	smov.u32 s3  }
0x164: {  	s7 =	sadd.s32 @p5 $0x80, s7;
	s21 =	simm.s32 $0x60;
	[tilespmem:s30+$0xFFFFFFD0] =	vst @p5 v18;
	s16 =	smov.u32 @p4 s14  }
0x165: {  	v56 =	vadd.s32 s8, v0;
	v16 =	vld.idx.msk @p4 [tilespmem:v16+s20+$0x0], $0xffff;
	s21 =	smov.u32 @p5 s7;
	[tilespmem:s16+$0x20] =	vst @p3 v13  }
0x166: {  	v18 =	vadd.s32 @p3 s24, v2;
	v12 =	vld.idx.msk [tilespmem:v12+s20+$0x0], $0xffff;
	s7 =	sor.u32 @p4 $0x70, s21;
	v13 =	vadd.s32 @p3 s15, v2;
	[tilespmem:s16+$0xFFFFFFE0] =	vst @p3 v9  }
0x167: {  	v4 =	vld.idx.msk [tilespmem:v4+s20+$0x0], $0xffff;
	[tilespmem:s7+$0x3000] =	vst @p4 v17;
	v17 =	vadd.s32 @p3 s25, v2  }
0x168: {  	[tilespmem:s16+$0x0] =	vst @p3 v11;
	v9 =	vld.idx.msk @p3 [tilespmem:v15+s20+$0x0], $0xffff;
	s7 =	sadd.s32 @p4 $0xFFFFFFC0, s21;
	v11 =	vpsel p3, v13, v14  }
0x169: {  	v10 =	vld.idx.msk [tilespmem:v10+s20+$0x0], $0xffff;
	v61 =	vadd.s32 s18, v2;
	s14 =	sadd.s32 @p4 $0xFFFFFFE0, s21;
	s15 =	smov.u32 @p4 s17;
	[tilespmem:s16+$0xFFFFFFC0] =	vst @p3 v7;
	s7 =	sor.u32 @p4 $0x30, s7;
	v13 =	vmov @p4 v19  }
0x16a: {  	v58 =	vadd.s32 s8, v2;
	s17 =	simm.s32 $0x60;
	s14 =	sor.u32 @p4 $0x50, s14;
	v15 =	vmov @p4 v20;
	s8 =	smov.u32 @p4 s15;
	v57 =	vld.idx.msk [tilespmem:v56+s20+$0x0], $0xffff;
	v16 =	vpsel p4, v16, v0;
	[tilespmem:s7+$0x3000] =	vst @p4 v13  }
0x16b: {  	v7 =	vld.idx.msk @p3 [tilespmem:v18+s20+$0x0], $0xffff;
	v13 =	vpsel p4, v15, v0;
	s7 =	smov.u32 @p4 s14;
	s14 =	sadd.s32 @p4 $0x80, s21;
	[tilespmem:s8+$0xFFFFFFD0] =	vst @p4 v16;
	s8 =	sadd.s32 @p3 $0x80, s16  }
0x16c: {  	[tilespmem:s7+$0x3000] =	vst @p4 v13;
	s17 =	smov.u32 @p4 s14;
	s7 =	smov.u32 s3;
	s3 =	smov.u32 @p3 s8;
	v17 =	vld.idx.msk @p3 [tilespmem:v17+s20+$0x0], $0xffff  }
0x16d: {  	v59 =	vadd.s32 s13, v2;
	v6 =	vpsel p3, v9, v6;
	s13 =	sor.u32 @p3 $0x70, s17;
	v11 =	vld.idx.msk @p3 [tilespmem:v11+s20+$0x0], $0xffff;
	[tilespmem:s3+$0xFFFFFFC0] =	vst v4  }
0x16e: {  	v60 =	vadd.s32 s12, v2;
	[tilespmem:s13+$0x3000] =	vst @p3 v6;
	v6 =	vld.idx.msk [tilespmem:v61+s20+$0x0], $0xffff  }
0x16f: {  	[tilespmem:s3+$0xFFFFFFE0] =	vst v12  }
0x170: {  	s8 =	smov.u32 @p3 s16;
	s12 =	sadd.s32 @p3 $0xFFFFFFC0, s17;
	[tilespmem:s3+$0x20] =	vst v57  }
0x171: {  	[tilespmem:s3+$0x0] =	vst v10;
	s7 =	smov.u32 @p3 s8;
	s13 =	sadd.s32 @p3 $0xFFFFFFE0, s17;
	s8 =	sor.u32 @p3 $0x30, s12;
	v5 =	vpsel p3, v7, v5;
	v63 =	vld.idx.msk [tilespmem:v58+s20+$0x0], $0xffff  }
0x172: {  	v4 =	vld.idx.msk [tilespmem:v59+s20+$0x0], $0xffff;
	s12 =	sor.u32 @p3 $0x50, s13;
	[tilespmem:s8+$0x3000] =	vst @p3 v5;
	v62 =	vpsel p3, v17, v8  }
0x173: {  	v10 =	vld.idx.msk [tilespmem:v60+s20+$0x0], $0xffff;
	s8 =	smov.u32 @p3 s12;
	s12 =	sadd.s32 @p3 $0x80, s17;
	v9 =	vmov @p3 v11;
	v5 =	vpsel p3, v62, v0;
	[tilespmem:s3+$0xFFFFFFD0] =	vst v6  }
0x174: {  	s1 =	sadd.s32 @!p2 s1, s11;
	s7 =	smov.u32 @p3 s7;
	s29 =	smov.u32 @p3 s12;
	v7 =	vpsel p3, v9, v0;
	[tilespmem:s8+$0x3000] =	vst @p3 v5  }
0x175: {  	s1 =	sshll.u32 @!p2 s1, $0x7;
	s26 =	sadd.s32 $0xFFFFFFC0, s29;
	s12 =	sor.u32 $0x70, s29;
	[tilespmem:s7+$0xFFFFFFD0] =	vst @p3 v7  }
0x176: {  	s1 =	sand.u32 @!p2 $0x1FFFFF80, s1;
	s29 =	sadd.s32 $0xFFFFFFE0, s29;
	s8 =	sor.u32 $0x30, s26;
	[tilespmem:s12+$0x3000] =	vst v63  }
0x177: {  	s31 =	sadd.s32 $0x1, s31;
	s1 =	sadd.s32 @!p2 s2, s1;
	s7 =	sor.u32 $0x50, s29;
	[tilespmem:s8+$0x3000] =	vst v4  }
0x178: {  	s3 =	simm.s32 @!p2 $0x400;
	[tilespmem:s7+$0x3000] =	vst v10;
	s7 =	simm.s32 @!p2 $0x7A1400;
	s8 =	simm.s32 @!p2 $0x1000  }
0x179: {  	[tilespmem:s8], [sflag:$0x2] =	stream.strided.gather @!p2 [hbm4b:s1+s3], $0x1000, s7, s3, $0x38;
	[tilespmem:$0x6100] =	vst v63  }
0x17a: {  	p2 =	sne.s32 s31, $0x7A  }
.Ltmp14:
0x17b: {  	_ = 	snop;
	(pc) =	sbr.rel @p2 .LBB2_2-.Ltmp14, $4  }
.Ltmp15:
0x17c: {  	s0 =	sshll.u32 s0, $0x9;
	(pc) =	sbr.rel @!p2 .LBB2_27-.Ltmp15, $4  }
0x17d: {  	s0 =	sand.u32 $0x1FFFFE00, s0  }
0x17e: {  	s30 =	simm.s32 $0x3000;
	s0 =	sadd.s32 s4, s0  }
0x17f: {  	[hbm4b:s0+s5] =	stream.linear.scatter [tilespmem:s30], [sflag:$0x4], $0x1000, $0x38;
	[tilespmem:$0x6100] =	vst v63  }
0x180: {  	_ = 	snop  }
.LBB2_5:
.Ltmp16:
0x181: {  	(pc) =	sbr.rel .LBB2_14-.Ltmp16, $2  }
0x182: {  	_ =	sdelay $0x2  }
0x183: {  	s7 =	simm.s32 $0x60;
	s14 =	simm.s32 $0x2040  }
.LBB2_17:
.Ltmp17:
0x184: {  	(pc) =	sbr.rel .LBB2_26-.Ltmp17, $2  }
0x185: {  	_ =	sdelay $0x2  }
0x186: {  	s7 =	simm.s32 $0x60;
	s14 =	simm.s32 $0x3040  }
.LBB2_7:
.Ltmp18:
0x187: {  	(pc) =	sbr.rel .LBB2_14-.Ltmp18, $4  }
0x188: {  	_ = 	snop  }
0x189: {  	s8 =	simm.s32 $0x7;
	s7 =	simm.s32 $0x60;
	s23 =	simm.s32 $0x1  }
0x18a: {  	s21 =	simm.s32 $0x2;
	s14 =	simm.s32 $0x2040;
	s26 =	simm.s32 $0x0  }
0x18b: {  	s24 =	simm.s32 $0x5;
	s25 =	simm.s32 $0x6;
	s18 =	simm.s32 $0x4  }
.LBB2_19:
.Ltmp19:
0x18c: {  	(pc) =	sbr.rel .LBB2_26-.Ltmp19, $4  }
0x18d: {  	_ = 	snop  }
0x18e: {  	s8 =	simm.s32 $0x7;
	s7 =	simm.s32 $0x60;
	s24 =	simm.s32 $0x1  }
0x18f: {  	s25 =	simm.s32 $0x2;
	s14 =	simm.s32 $0x3040;
	s15 =	simm.s32 $0x0  }
0x190: {  	s13 =	simm.s32 $0x5;
	s12 =	simm.s32 $0x6;
	s18 =	simm.s32 $0x4  }
.LBB2_9:
.Ltmp20:
0x191: {  	_ = 	snop;
	(pc) =	sbr.rel .LBB2_14-.Ltmp20, $3  }
0x192: {  	_ =	sdelay $0x1  }
0x193: {  	s7 =	simm.s32 $0x60;
	v16 =	vmov v14;
	v9 =	vmov v17  }
0x194: {  	v11 =	vmovc v19;
	s14 =	simm.s32 $0x2040;
	s17 =	simm.s32 $0x2040;
	s18 =	simm.s32 $0x8;
	v7 =	vmovc v22;
	v17 =	vmov v6;
	v19 =	vmov v5;
	v20 =	vmov v8  }
.LBB2_21:
.Ltmp21:
0x195: {  	_ = 	snop;
	(pc) =	sbr.rel .LBB2_26-.Ltmp21, $3  }
0x196: {  	_ =	sdelay $0x1  }
0x197: {  	s7 =	simm.s32 $0x60;
	v16 =	vmov v14;
	v9 =	vmov v17  }
0x198: {  	v11 =	vmovc v19;
	s14 =	simm.s32 $0x3040;
	s17 =	simm.s32 $0x3040;
	s18 =	simm.s32 $0x8;
	v7 =	vmovc v22;
	v17 =	vmov v6;
	v19 =	vmov v5;
	v20 =	vmov v8  }
.LBB2_11:
.Ltmp22:
0x199: {  	(pc) =	sbr.rel .LBB2_14-.Ltmp22, $4  }
0x19a: {  	_ = 	snop  }
0x19b: {  	s8 =	simm.s32 $0xF;
	s7 =	simm.s32 $0x60;
	s23 =	simm.s32 $0x9  }
0x19c: {  	s30 =	simm.s32 $0x2040;
	s21 =	simm.s32 $0xA;
	s26 =	simm.s32 $0x8  }
0x19d: {  	v21 =	vmov v8;
	s17 =	simm.s32 $0x20C0;
	s24 =	simm.s32 $0xD;
	s25 =	simm.s32 $0xE  }
.LBB2_23:
.Ltmp23:
0x19e: {  	(pc) =	sbr.rel .LBB2_26-.Ltmp23, $4  }
0x19f: {  	_ = 	snop  }
0x1a0: {  	s8 =	simm.s32 $0xF;
	s7 =	simm.s32 $0x60;
	s24 =	simm.s32 $0x9  }
0x1a1: {  	s30 =	simm.s32 $0x3040;
	s25 =	simm.s32 $0xA;
	s15 =	simm.s32 $0x8  }
0x1a2: {  	v21 =	vmov v8;
	s17 =	simm.s32 $0x30C0;
	s13 =	simm.s32 $0xD;
	s12 =	simm.s32 $0xE  }
.LBB2_27:
0x1a3: {  	s0 =	simm.s32 $0x3  }
0x1a4: {  	_ =	swait.ge [sflag:s0], $0x1000  }
.Ltmp24:
0x1a5: {  	[sflag:s0] =	ssyncset.done $0x0;
	(pc) =	sbr.rel @p0 .LBB2_41-.Ltmp24, $4  }
0x1a6: {  	s31 =	simm.s32 $0x4;
	[sflag:s0] =	ssyncadd.s32 $0xFFFFF000  }
0x1a7: {  	_ =	swait.ge [sflag:s31], $0x1000  }
0x1a8: {  	[sflag:s31] =	ssyncset.done $0x0  }
0x1a9: {  	s29 =	simm.s32 $0x5;
	[sflag:s31] =	ssyncadd.s32 $0xFFFFF000  }
0x1aa: {  	s0 =	rddreg [dreg:$0x6];
	s1 =	simm.s32 $0x400;
	s3 =	simm.s32 $0x7A1400  }
0x1ab: {  	[tilespmem:s5], [sflag:$0x5] =	stream.strided.gather [hbm4b:s0+s1], $0x1000, s3, s1, $0x38;
	[tilespmem:$0x6100] =	vst v63  }
0x1ac: {  	_ =	swait.ge [sflag:s29], $0x1000  }
0x1ad: {  	[sflag:s29] =	ssyncset.done $0x0  }
0x1ae: {  	s31 =	simm.s32 $0x100;
	[sflag:s29] =	ssyncadd.s32 $0xFFFFF000  }
0x1af: {  	v4 =	vld [tilespmem:s31+$0x80]  }
0x1b0: {  	v6 =	vld [tilespmem:s31+$0x0]  }
0x1b1: {  	v5 =	vld [tilespmem:s31+$0xFFFFFF80]  }
0x1b2: {  	v7 =	vld [tilespmem:s31+$0xFFFFFF00]  }
0x1b3: {  	s0 =	simm.s32 $0x510A  }
0x1b4: {  	[tilespmem:s0+$0x85] =	vst v4  }
0x1b5: {  	[tilespmem:s0+$0x0] =	vst v6;
	v4 =	vld [tilespmem:s31+$0x90]  }
0x1b6: {  	[tilespmem:s0+$0xFFFFFF7B] =	vst v5;
	v6 =	vld [tilespmem:s31+$0x10]  }
0x1b7: {  	[tilespmem:s0+$0xFFFFFEF6] =	vst v7;
	v5 =	vld [tilespmem:s31+$0xFFFFFF90]  }
0x1b8: {  	v7 =	vld [tilespmem:s31+$0xFFFFFF10];
	_ =	sdelay $0x1  }
0x1b9: {  	[tilespmem:s0+$0x95] =	vst v4  }
0x1ba: {  	[tilespmem:s0+$0x10] =	vst v6;
	v4 =	vld [tilespmem:s31+$0xA0]  }
0x1bb: {  	[tilespmem:s0+$0xFFFFFF8B] =	vst v5;
	v6 =	vld [tilespmem:s31+$0x20]  }
0x1bc: {  	[tilespmem:s0+$0xFFFFFF06] =	vst v7;
	v5 =	vld [tilespmem:s31+$0xFFFFFFA0]  }
0x1bd: {  	v7 =	vld [tilespmem:s31+$0xFFFFFF20];
	_ =	sdelay $0x1  }
0x1be: {  	[tilespmem:s0+$0xA5] =	vst v4  }
0x1bf: {  	[tilespmem:s0+$0x20] =	vst v6;
	v4 =	vld [tilespmem:s31+$0xB0]  }
0x1c0: {  	[tilespmem:s0+$0xFFFFFF9B] =	vst v5;
	v6 =	vld [tilespmem:s31+$0x30]  }
0x1c1: {  	[tilespmem:s0+$0xFFFFFF16] =	vst v7;
	v5 =	vld [tilespmem:s31+$0xFFFFFFB0]  }
0x1c2: {  	v7 =	vld [tilespmem:s31+$0xFFFFFF30];
	_ =	sdelay $0x1  }
0x1c3: {  	[tilespmem:s0+$0xB5] =	vst v4  }
0x1c4: {  	[tilespmem:s0+$0x30] =	vst v6;
	v4 =	vld [tilespmem:s31+$0xC0]  }
0x1c5: {  	[tilespmem:s0+$0xFFFFFFAB] =	vst v5;
	v6 =	vld [tilespmem:s31+$0x40]  }
0x1c6: {  	[tilespmem:s0+$0xFFFFFF26] =	vst v7;
	v5 =	vld [tilespmem:s31+$0xFFFFFFC0]  }
0x1c7: {  	v7 =	vld [tilespmem:s31+$0xFFFFFF40]  }
0x1c8: {  	s1 =	simm.s32 $0x300  }
0x1c9: {  	v8 =	vld [tilespmem:s1+$0x80];
	[tilespmem:s0+$0xC5] =	vst v4  }
0x1ca: {  	[tilespmem:s0+$0x40] =	vst v6;
	v6 =	vld [tilespmem:s1+$0xFFFFFF80]  }
0x1cb: {  	[tilespmem:s0+$0xFFFFFFBB] =	vst v5;
	v4 =	vld [tilespmem:s31+$0xD0]  }
0x1cc: {  	[tilespmem:s0+$0xFFFFFF36] =	vst v7;
	v7 =	vld [tilespmem:s1+$0x0]  }
0x1cd: {  	s14 =	simm.s32 $0x531E;
	v5 =	vld [tilespmem:s31+$0xFFFFFFD0]  }
0x1ce: {  	v9 =	vld [tilespmem:s1+$0xFFFFFF00];
	[tilespmem:s14+$0x85] =	vst v8  }
0x1cf: {  	[tilespmem:s14+$0xFFFFFF7B] =	vst v6;
	v6 =	vld [tilespmem:s1+$0x90]  }
0x1d0: {  	[tilespmem:s0+$0xD5] =	vst v4;
	v8 =	vld [tilespmem:s1+$0xFFFFFF90]  }
0x1d1: {  	[tilespmem:s14+$0x0] =	vst v7;
	v4 =	vld [tilespmem:s31+$0xE0]  }
0x1d2: {  	[tilespmem:s0+$0xFFFFFFCB] =	vst v5;
	v5 =	vld [tilespmem:s31+$0xFFFFFF50]  }
0x1d3: {  	[tilespmem:s14+$0xFFFFFEF6] =	vst v9;
	v7 =	vld [tilespmem:s1+$0x10]  }
0x1d4: {  	v9 =	vld [tilespmem:s1+$0xFFFFFF10];
	[tilespmem:s14+$0x95] =	vst v6  }
0x1d5: {  	[tilespmem:s14+$0xFFFFFF8B] =	vst v8;
	v6 =	vld [tilespmem:s1+$0xA0]  }
0x1d6: {  	[tilespmem:s0+$0xE5] =	vst v4;
	v8 =	vld [tilespmem:s1+$0xFFFFFFA0]  }
0x1d7: {  	[tilespmem:s0+$0xFFFFFF46] =	vst v5;
	v4 =	vld [tilespmem:s31+$0xF0]  }
0x1d8: {  	v5 =	vld [tilespmem:s31+$0x50];
	[tilespmem:s14+$0x10] =	vst v7  }
0x1d9: {  	[tilespmem:s14+$0xFFFFFF06] =	vst v9;
	v7 =	vld [tilespmem:s1+$0x20]  }
0x1da: {  	v9 =	vld [tilespmem:s1+$0xFFFFFF20];
	[tilespmem:s14+$0xA5] =	vst v6  }
0x1db: {  	[tilespmem:s14+$0xFFFFFF9B] =	vst v8;
	v6 =	vld [tilespmem:s1+$0xB0]  }
0x1dc: {  	[tilespmem:s0+$0xF5] =	vst v4;
	v4 =	vld [tilespmem:s31+$0xFFFFFF60]  }
0x1dd: {  	[tilespmem:s0+$0x50] =	vst v5;
	v8 =	vld [tilespmem:s1+$0xFFFFFFB0]  }
0x1de: {  	v5 =	vld [tilespmem:s31+$0xFFFFFFE0];
	[tilespmem:s14+$0x20] =	vst v7  }
0x1df: {  	[tilespmem:s14+$0xFFFFFF16] =	vst v9;
	v7 =	vld [tilespmem:s1+$0x30]  }
0x1e0: {  	v9 =	vld [tilespmem:s1+$0xFFFFFF30];
	[tilespmem:s14+$0xB5] =	vst v6  }
0x1e1: {  	[tilespmem:s0+$0xFFFFFF56] =	vst v4;
	v4 =	vld [tilespmem:s31+$0x60]  }
0x1e2: {  	[tilespmem:s14+$0xFFFFFFAB] =	vst v8;
	v8 =	vld [tilespmem:s1+$0xC0]  }
0x1e3: {  	[tilespmem:s0+$0xFFFFFFDB] =	vst v5;
	v5 =	vld [tilespmem:s31+$0xFFFFFF70]  }
0x1e4: {  	[tilespmem:s14+$0x30] =	vst v7;
	v10 =	vld [tilespmem:s1+$0xFFFFFFC0]  }
0x1e5: {  	[tilespmem:s14+$0xFFFFFF26] =	vst v9;
	v9 =	vld [tilespmem:s1+$0x40]  }
0x1e6: {  	v6 =	vld [tilespmem:s1+$0xFFFFFF40];
	[tilespmem:s0+$0x60] =	vst v4  }
0x1e7: {  	v4 =	vld [tilespmem:s31+$0xFFFFFFF0];
	[tilespmem:s14+$0xC5] =	vst v8  }
0x1e8: {  	[tilespmem:s0+$0xFFFFFF66] =	vst v5;
	v5 =	vld [tilespmem:s31+$0x70]  }
0x1e9: {  	[tilespmem:s14+$0xFFFFFFBB] =	vst v10;
	v8 =	vld [tilespmem:s1+$0xD0]  }
0x1ea: {  	s7 =	simm.s32 $0x500;
	s3 =	simm.s32 $0x4;
	[tilespmem:s14+$0x40] =	vst v9;
	v7 =	vld [tilespmem:s1+$0xFFFFFFD0]  }
.LBB2_29:
0x1eb: {  	v9 =	vld [tilespmem:s7+$0x80];
	s3 =	sadd.s32 $0x4, s3;
	[tilespmem:s14+$0xFFFFFF36] =	vst v6  }
0x1ec: {  	v6 =	vld [tilespmem:s7+$0xFFFFFF80];
	p2 =	slt.u32 s3, $0x1C;
	[tilespmem:s0+$0xFFFFFFEB] =	vst v4  }
0x1ed: {  	v4 =	vld [tilespmem:s7+$0x0];
	[tilespmem:s0+$0x70] =	vst v5;
	s0 =	smov.u32 s14  }
0x1ee: {  	v5 =	vld [tilespmem:s7+$0xFFFFFF00];
	[tilespmem:s14+$0xD5] =	vst v8  }
0x1ef: {  	s14 =	sadd.s32 $0x214, s14;
	[tilespmem:s0+$0xFFFFFFCB] =	vst v7;
	v7 =	vld [tilespmem:s1+$0xE0]  }
0x1f0: {  	[tilespmem:s14+$0x85] =	vst v9;
	v8 =	vld [tilespmem:s1+$0xFFFFFF50]  }
0x1f1: {  	[tilespmem:s14+$0xFFFFFF7B] =	vst v6;
	v6 =	vld [tilespmem:s7+$0x90]  }
0x1f2: {  	v9 =	vld [tilespmem:s7+$0xFFFFFF90];
	[tilespmem:s14+$0x0] =	vst v4  }
0x1f3: {  	[tilespmem:s14+$0xFFFFFEF6] =	vst v5;
	v4 =	vld [tilespmem:s7+$0x10]  }
0x1f4: {  	v5 =	vld [tilespmem:s7+$0xFFFFFF10];
	[tilespmem:s0+$0xE5] =	vst v7  }
0x1f5: {  	[tilespmem:s0+$0xFFFFFF46] =	vst v8;
	v7 =	vld [tilespmem:s1+$0xF0]  }
0x1f6: {  	[tilespmem:s14+$0x95] =	vst v6;
	v6 =	vld [tilespmem:s1+$0x50]  }
0x1f7: {  	[tilespmem:s14+$0xFFFFFF8B] =	vst v9;
	v8 =	vld [tilespmem:s7+$0xA0]  }
0x1f8: {  	v9 =	vld [tilespmem:s7+$0xFFFFFFA0];
	[tilespmem:s14+$0x10] =	vst v4  }
0x1f9: {  	[tilespmem:s14+$0xFFFFFF06] =	vst v5;
	v4 =	vld [tilespmem:s7+$0x20]  }
0x1fa: {  	v5 =	vld [tilespmem:s7+$0xFFFFFF20];
	[tilespmem:s0+$0xF5] =	vst v7  }
0x1fb: {  	v7 =	vld [tilespmem:s1+$0xFFFFFF60];
	[tilespmem:s0+$0x50] =	vst v6  }
0x1fc: {  	[tilespmem:s14+$0xA5] =	vst v8;
	v6 =	vld [tilespmem:s1+$0xFFFFFFE0]  }
0x1fd: {  	[tilespmem:s14+$0xFFFFFF9B] =	vst v9;
	v8 =	vld [tilespmem:s7+$0xB0]  }
0x1fe: {  	v9 =	vld [tilespmem:s7+$0xFFFFFFB0];
	[tilespmem:s14+$0x20] =	vst v4  }
0x1ff: {  	[tilespmem:s14+$0xFFFFFF16] =	vst v5;
	v4 =	vld [tilespmem:s7+$0x30]  }
0x200: {  	v5 =	vld [tilespmem:s7+$0xFFFFFF30];
	[tilespmem:s0+$0xFFFFFF56] =	vst v7  }
0x201: {  	[tilespmem:s0+$0xFFFFFFDB] =	vst v6;
	v7 =	vld [tilespmem:s1+$0x60]  }
0x202: {  	[tilespmem:s14+$0xB5] =	vst v8;
	v8 =	vld [tilespmem:s1+$0xFFFFFF70]  }
0x203: {  	[tilespmem:s14+$0xFFFFFFAB] =	vst v9;
	v9 =	vld [tilespmem:s7+$0xC0]  }
0x204: {  	v10 =	vld [tilespmem:s7+$0xFFFFFFC0];
	[tilespmem:s14+$0x30] =	vst v4  }
0x205: {  	[tilespmem:s14+$0xFFFFFF26] =	vst v5;
	v11 =	vld [tilespmem:s7+$0x40]  }
.Ltmp25:
0x206: {  	v6 =	vld [tilespmem:s7+$0xFFFFFF40];
	[tilespmem:s0+$0x60] =	vst v7;
	(pc) =	sbr.rel @p2 .LBB2_29-.Ltmp25, $4  }
0x207: {  	[tilespmem:s0+$0xFFFFFF66] =	vst v8;
	v4 =	vld [tilespmem:s1+$0xFFFFFFF0]  }
0x208: {  	[tilespmem:s14+$0xC5] =	vst v9;
	v5 =	vld [tilespmem:s1+$0x70];
	s1 =	smov.u32 s7  }
0x209: {  	[tilespmem:s14+$0xFFFFFFBB] =	vst v10;
	v8 =	vld [tilespmem:s7+$0xD0]  }
0x20a: {  	s7 =	sadd.s32 $0x200, s7;
	v7 =	vld [tilespmem:s1+$0xFFFFFFD0];
	[tilespmem:s14+$0x40] =	vst v11  }
0x20b: {  	[tilespmem:s14+$0xFFFFFF36] =	vst v6;
	v9 =	vld [tilespmem:s1+$0x50]  }
0x20c: {  	v6 =	vld [tilespmem:s1+$0xFFFFFF50];
	_ =	sdelay $0x1  }
0x20d: {  	[tilespmem:s14+$0xD5] =	vst v8  }
0x20e: {  	v8 =	vld [tilespmem:s1+$0xE0];
	[tilespmem:s14+$0xFFFFFFCB] =	vst v7  }
0x20f: {  	[tilespmem:s14+$0x50] =	vst v9;
	v7 =	vld [tilespmem:s1+$0xFFFFFFE0]  }
0x210: {  	[tilespmem:s14+$0xFFFFFF46] =	vst v6;
	v9 =	vld [tilespmem:s1+$0x60]  }
0x211: {  	v6 =	vld [tilespmem:s1+$0xFFFFFF60];
	_ =	sdelay $0x1  }
0x212: {  	[tilespmem:s14+$0xE5] =	vst v8  }
0x213: {  	[tilespmem:s14+$0xFFFFFFDB] =	vst v7  }
0x214: {  	[tilespmem:s14+$0x60] =	vst v9;
	v8 =	vld [tilespmem:s1+$0xFFFFFFF0]  }
0x215: {  	[tilespmem:s14+$0xFFFFFF56] =	vst v6;
	v6 =	vld [tilespmem:s1+$0xF0]  }
0x216: {  	[tilespmem:s0+$0xFFFFFFEB] =	vst v4;
	v4 =	vld [tilespmem:s1+$0x70]  }
0x217: {  	p5 =	por $0x1, $0x1;
	v7 =	vld [tilespmem:s1+$0xFFFFFF70]  }
.Ltmp26:
0x218: {  	[tilespmem:s0+$0x70] =	vst v5;
	(pc) =	sbr.rel @!p5 .LBB2_31-.Ltmp26, $4  }
0x219: {  	s3 =	simm.s32 $0x0;
	[tilespmem:s14+$0xFFFFFFEB] =	vst v8  }
0x21a: {  	s13 =	simm.s32 $0x1;
	s12 =	simm.s32 $0x2;
	s8 =	simm.s32 $0x3;
	[tilespmem:s14+$0xF5] =	vst v6  }
0x21b: {  	s15 =	simm.s32 $0x4;
	p2 =	por $0x0, $0x0;
	p3 =	por $0x0, $0x0;
	[tilespmem:s14+$0x70] =	vst v4  }
0x21c: {  	p4 =	por $0x0, $0x0;
	v12 =	vadd.s32 s13, v0;
	v10 =	vadd.s32 s12, v0;
	s0 =	simm.s32 $0x2040;
	s1 =	simm.s32 $0x60;
	v4 =	vadd.s32 s3, v0;
	[tilespmem:s14+$0xFFFFFF66] =	vst v7  }
0x21d: {  	_ =	sdelay $0x1  }
0x21e: {  	v5 =	vadd.s32 s8, v0;
	p5 =	por $0x1, $0x1  }
.Ltmp27:
0x21f: {  	_ = 	snop;
	(pc) =	sbr.rel @!p5 .LBB2_33-.Ltmp27, $4  }
0x220: {  	v7 =	vld.idx.msk [tilespmem:v4+s20+$0x0], $0xffff  }
0x221: {  	v9 =	vld.idx.msk [tilespmem:v12+s20+$0x0], $0xffff  }
0x222: {  	v11 =	vld.idx.msk [tilespmem:v10+s20+$0x0], $0xffff;
	v4 =	vadd.s32 s15, v0;
	s18 =	simm.s32 $0x5;
	s24 =	simm.s32 $0x6  }
0x223: {  	s7 =	simm.s32 $0x7;
	s25 =	simm.s32 $0x8;
	v15 =	vadd.s32 s8, v2;
	p2 =	por $0x1, $0x1;
	v12 =	vadd.s32 s18, v0;
	v10 =	vadd.s32 s24, v0;
	v13 =	vld.idx.msk [tilespmem:v5+s20+$0x0], $0xffff  }
0x224: {  	_ =	sdelay $0x2  }
0x225: {  	v5 =	vadd.s32 s7, v0  }
0x226: {  	v22 =	vld.idx.msk [tilespmem:v4+s20+$0x0], $0xffff;
	v8 =	vadd.s32 s13, v2  }
0x227: {  	v17 =	vld.idx.msk [tilespmem:v12+s20+$0x0], $0xffff;
	v16 =	vadd.s32 s12, v2;
	p5 =	por $0x1, $0x1  }
.Ltmp28:
0x228: {  	v19 =	vld.idx.msk [tilespmem:v10+s20+$0x0], $0xffff;
	[tilespmem:s0+$0x20] =	vst v13;
	(pc) =	sbr.rel @!p5 .LBB2_35-.Ltmp28, $4  }
0x229: {  	v6 =	vld.idx.msk [tilespmem:v15+s20+$0x0], $0xffff  }
0x22a: {  	v14 =	vadd.s32 s3, v2;
	s13 =	simm.s32 $0x9;
	[tilespmem:s0+$0xFFFFFFE0] =	vst v9;
	v13 =	vld.idx.msk [tilespmem:v5+s20+$0x0], $0xffff  }
0x22b: {  	v4 =	vadd.s32 s25, v0;
	s12 =	simm.s32 $0xA;
	v12 =	vadd.s32 s13, v0;
	[tilespmem:s0+$0x0] =	vst v11;
	v5 =	vld.idx.msk [tilespmem:v8+s20+$0x0], $0xffff  }
0x22c: {  	s8 =	simm.s32 $0xB;
	s3 =	simm.s32 $0xC;
	p3 =	por $0x1, $0x1;
	v10 =	vadd.s32 s12, v0;
	[tilespmem:s0+$0xFFFFFFC0] =	vst v7;
	v15 =	vadd.s32 s7, v2;
	v8 =	vld.idx.msk [tilespmem:v16+s20+$0x0], $0xffff  }
0x22d: {  	_ =	sdelay $0x3  }
0x22e: {  	v20 =	vadd.s32 s8, v0;
	v18 =	vld.idx.msk [tilespmem:v14+s20+$0x0], $0xffff  }
0x22f: {  	v7 =	vld.idx.msk [tilespmem:v4+s20+$0x0], $0xffff;
	v21 =	vadd.s32 s18, v2;
	s7 =	sor.u32 $0x70, s1  }
0x230: {  	v9 =	vld.idx.msk [tilespmem:v12+s20+$0x0], $0xffff;
	v23 =	vadd.s32 s24, v2;
	s14 =	simm.s32 $0x20C0;
	p5 =	por $0x1, $0x1;
	[tilespmem:s7+$0x2000] =	vst v6  }
.Ltmp29:
0x231: {  	v11 =	vld.idx.msk [tilespmem:v10+s20+$0x0], $0xffff;
	v16 =	vadd.s32 s15, v2;
	[tilespmem:s14+$0x20] =	vst v13;
	(pc) =	sbr.rel @!p5 .LBB2_37-.Ltmp29, $4  }
0x232: {  	s31 =	simm.s32 $0x20;
	s16 =	simm.s32 $0x40;
	s23 =	simm.s32 $0xD;
	v4 =	vadd.s32 s3, v0;
	[tilespmem:s14+$0xFFFFFFE0] =	vst v17;
	v17 =	vld.idx.msk [tilespmem:v15+s20+$0x0], $0xffff  }
0x233: {  	s21 =	simm.s32 $0xE;
	s15 =	simm.s32 $0xF;
	s18 =	simm.s32 $0x10;
	[tilespmem:s14+$0x0] =	vst v19;
	v12 =	vadd.s32 s23, v0;
	v13 =	vld.idx.msk [tilespmem:v20+s20+$0x0], $0xffff  }
0x234: {  	p4 =	por $0x1, $0x1;
	s26 =	simm.s32 $0x2040;
	s7 =	sor.u32 $0x30, s31;
	[tilespmem:s14+$0xFFFFFFC0] =	vst v22;
	v10 =	vadd.s32 s21, v0;
	v19 =	vld.idx.msk [tilespmem:v21+s20+$0x0], $0xffff  }
0x235: {  	s17 =	simm.s32 $0x20C0;
	s16 =	sor.u32 $0x50, s16;
	v15 =	vadd.s32 s8, v2;
	[tilespmem:s7+$0x2000] =	vst v5;
	s7 =	simm.s32 $0x60;
	v20 =	vld.idx.msk [tilespmem:v23+s20+$0x0], $0xffff;
	v21 =	vmov v8  }
.LBB2_38:
0x236: {  	p5 =	slt.u32 s18, $0x7C;
	v22 =	vadd.s32 s15, v0;
	v23 =	vld.idx.msk [tilespmem:v16+s20+$0x0], $0xffff;
	[tilespmem:s16+$0x2000] =	vst v21;
	s7 =	sadd.s32 $0x80, s7;
	v21 =	vmov v9  }
0x237: {  	v25 =	vadd.s32 s13, v2;
	v24 =	vld.idx.msk [tilespmem:v4+s20+$0x0], $0xffff;
	s8 =	sadd.s32 $0xFFFFFFC0, s7;
	s13 =	sadd.s32 $0xFFFFFFE0, s7;
	s24 =	sor.u32 $0x70, s7;
	[tilespmem:s26+$0xFFFFFFD0] =	vst v18;
	v18 =	vmov v11  }
0x238: {  	v26 =	vadd.s32 s12, v2;
	s14 =	sadd.s32 $0x80, s14;
	v9 =	vld.idx.msk [tilespmem:v12+s20+$0x0], $0xffff;
	s8 =	sor.u32 $0x30, s8;
	s16 =	sor.u32 $0x50, s13;
	[tilespmem:s24+$0x2000] =	vst v17  }
.Ltmp30:
0x239: {  	v16 =	vadd.s32 s25, v2;
	s26 =	smov.u32 s17;
	s17 =	smov.u32 s14;
	v11 =	vld.idx.msk [tilespmem:v10+s20+$0x0], $0xffff;
	[tilespmem:s14+$0x20] =	vst v13;
	(pc) =	sbr.rel @p5 .LBB2_38-.Ltmp30, $4  }
0x23a: {  	s12 =	smov.u32 s21;
	v4 =	vadd.s32 s18, v0;
	s13 =	smov.u32 s23;
	s23 =	sadd.s32 $0x1, s18;
	v27 =	vmov v19;
	[tilespmem:s14+$0xFFFFFFE0] =	vst v21;
	v17 =	vld.idx.msk [tilespmem:v15+s20+$0x0], $0xffff  }
0x23b: {  	s21 =	sadd.s32 $0x2, s18;
	s25 =	smov.u32 s3;
	s3 =	smov.u32 s18;
	v12 =	vadd.s32 s23, v0;
	v21 =	vmov v20;
	v13 =	vld.idx.msk [tilespmem:v22+s20+$0x0], $0xffff;
	[tilespmem:s14+$0x0] =	vst v18  }
0x23c: {  	v10 =	vadd.s32 s21, v0;
	v18 =	vmov v23;
	[tilespmem:s14+$0xFFFFFFC0] =	vst v7;
	v19 =	vld.idx.msk [tilespmem:v25+s20+$0x0], $0xffff  }
0x23d: {  	s18 =	sadd.s32 $0x4, s18;
	v15 =	vadd.s32 s15, v2;
	s15 =	sadd.s32 $0x3, s3;
	v7 =	vmov v24;
	v20 =	vld.idx.msk [tilespmem:v26+s20+$0x0], $0xffff;
	[tilespmem:s8+$0x2000] =	vst v27  }
0x23e: {  	s18 =	smov.u32 s13;
	s24 =	smov.u32 s12;
	s8 =	smov.u32 s15  }
0x23f: {  	s15 =	smov.u32 s25;
	s13 =	smov.u32 s23;
	s12 =	smov.u32 s21  }
.LBB2_40:
0x240: {  	_ =	sdelay $0x1  }
0x241: {  	[tilespmem:s16+$0x2000] =	vst @p4 v21;
	s14 =	sadd.s32 @p3 $0x80, s14;
	s16 =	smov.u32 s0  }
0x242: {  	s7 =	sadd.s32 @p4 $0x80, s7;
	s21 =	simm.s32 $0x60;
	[tilespmem:s26+$0xFFFFFFD0] =	vst @p4 v18;
	s16 =	smov.u32 @p3 s14  }
0x243: {  	v56 =	vadd.s32 s8, v0;
	v16 =	vld.idx.msk @p3 [tilespmem:v16+s20+$0x0], $0xffff;
	s21 =	smov.u32 @p4 s7;
	[tilespmem:s16+$0x20] =	vst @p2 v13  }
0x244: {  	v18 =	vadd.s32 @p2 s18, v2;
	v12 =	vld.idx.msk [tilespmem:v12+s20+$0x0], $0xffff;
	s7 =	sor.u32 @p3 $0x70, s21;
	v13 =	vadd.s32 @p2 s15, v2;
	[tilespmem:s16+$0xFFFFFFE0] =	vst @p2 v9  }
0x245: {  	v4 =	vld.idx.msk [tilespmem:v4+s20+$0x0], $0xffff;
	[tilespmem:s7+$0x2000] =	vst @p3 v17;
	v17 =	vadd.s32 @p2 s24, v2  }
0x246: {  	[tilespmem:s16+$0x0] =	vst @p2 v11;
	v9 =	vld.idx.msk @p2 [tilespmem:v15+s20+$0x0], $0xffff;
	s7 =	sadd.s32 @p3 $0xFFFFFFC0, s21;
	v11 =	vpsel p2, v13, v14  }
0x247: {  	v10 =	vld.idx.msk [tilespmem:v10+s20+$0x0], $0xffff;
	v61 =	vadd.s32 s3, v2;
	s14 =	sadd.s32 @p3 $0xFFFFFFE0, s21;
	s15 =	smov.u32 @p3 s17;
	[tilespmem:s16+$0xFFFFFFC0] =	vst @p2 v7;
	s7 =	sor.u32 @p3 $0x30, s7;
	v13 =	vmov @p3 v19  }
0x248: {  	v58 =	vadd.s32 s8, v2;
	s17 =	simm.s32 $0x60;
	s14 =	sor.u32 @p3 $0x50, s14;
	v15 =	vmov @p3 v20;
	s8 =	smov.u32 @p3 s15;
	v57 =	vld.idx.msk [tilespmem:v56+s20+$0x0], $0xffff;
	v16 =	vpsel p3, v16, v0;
	[tilespmem:s7+$0x2000] =	vst @p3 v13  }
0x249: {  	v7 =	vld.idx.msk @p2 [tilespmem:v18+s20+$0x0], $0xffff;
	v13 =	vpsel p3, v15, v0;
	s7 =	smov.u32 @p3 s14;
	s14 =	sadd.s32 @p3 $0x80, s21;
	[tilespmem:s8+$0xFFFFFFD0] =	vst @p3 v16;
	s8 =	sadd.s32 @p2 $0x80, s16  }
0x24a: {  	v60 =	vadd.s32 s12, v2;
	[tilespmem:s7+$0x2000] =	vst @p3 v13;
	s17 =	smov.u32 @p3 s14;
	s7 =	smov.u32 s0;
	s0 =	smov.u32 @p2 s8;
	v17 =	vld.idx.msk @p2 [tilespmem:v17+s20+$0x0], $0xffff  }
0x24b: {  	v59 =	vadd.s32 s13, v2;
	v6 =	vpsel p2, v9, v6;
	s13 =	sor.u32 @p2 $0x70, s17;
	v11 =	vld.idx.msk @p2 [tilespmem:v11+s20+$0x0], $0xffff;
	[tilespmem:s0+$0xFFFFFFC0] =	vst v4  }
0x24c: {  	[tilespmem:s13+$0x2000] =	vst @p2 v6;
	v6 =	vld.idx.msk [tilespmem:v61+s20+$0x0], $0xffff  }
0x24d: {  	[tilespmem:s0+$0xFFFFFFE0] =	vst v12  }
0x24e: {  	s3 =	smov.u32 @p2 s16;
	s8 =	sadd.s32 @p2 $0xFFFFFFC0, s17;
	s12 =	sadd.s32 @p2 $0xFFFFFFE0, s17;
	[tilespmem:s0+$0x0] =	vst v10  }
0x24f: {  	s7 =	smov.u32 @p2 s3;
	s3 =	sor.u32 @p2 $0x30, s8;
	s8 =	sor.u32 @p2 $0x50, s12;
	v10 =	vld.idx.msk [tilespmem:v60+s20+$0x0], $0xffff;
	[tilespmem:s0+$0x20] =	vst v57;
	v5 =	vpsel p2, v7, v5  }
0x250: {  	v63 =	vld.idx.msk [tilespmem:v58+s20+$0x0], $0xffff;
	[tilespmem:s3+$0x2000] =	vst @p2 v5;
	s3 =	smov.u32 @p2 s8;
	s8 =	sadd.s32 @p2 $0x80, s17;
	v62 =	vpsel p2, v17, v8  }
0x251: {  	v4 =	vld.idx.msk [tilespmem:v59+s20+$0x0], $0xffff;
	s7 =	smov.u32 @p2 s7;
	s1 =	smov.u32 @p2 s8;
	v9 =	vmov @p2 v11;
	v5 =	vpsel p2, v62, v0;
	[tilespmem:s0+$0xFFFFFFD0] =	vst v6  }
0x252: {  	s30 =	sadd.s32 $0xFFFFFFC0, s1;
	s8 =	sor.u32 $0x70, s1;
	s1 =	sadd.s32 $0xFFFFFFE0, s1;
	v7 =	vpsel p2, v9, v0;
	[tilespmem:s3+$0x2000] =	vst @p2 v5  }
0x253: {  	s1 =	sor.u32 $0x50, s1;
	[tilespmem:s7+$0xFFFFFFD0] =	vst @p2 v7  }
0x254: {  	[tilespmem:s1+$0x2000] =	vst v10  }
0x255: {  	s3 =	sor.u32 $0x30, s30;
	[tilespmem:s8+$0x2000] =	vst v63  }
0x256: {  	[tilespmem:s3+$0x2000] =	vst v4  }
0x257: {  	s31 =	simm.s32 $0x2000;
	s0 =	rddreg [dreg:$0x7]  }
0x258: {  	[hbm4b:s0+s5] =	stream.linear.scatter [tilespmem:s31], [sflag:$0x5], $0x1000, $0x38;
	[tilespmem:$0x6100] =	vst v63  }
0x259: {  	_ =	swait.ge [sflag:s29], $0x1000  }
0x25a: {  	[sflag:s29] =	ssyncset.done $0x0  }
0x25b: {  	[sflag:s29] =	ssyncadd.s32 $0xFFFFF000  }
.LBB2_41:
.Ltmp31:
0x25c: {  	(pc) =	sbr.rel @p1 .LBB2_45-.Ltmp31, $2  }
0x25d: {  	_ =	sdelay $0x2  }
0x25e: {  	s1 =	rddreg [dreg:$0xa]  }
0x25f: {  	s0 =	simm.s32 $0x0  }
0x260: {  	s1 =	rddreg [dreg:$0x1];
	s26 =	simm.s32 $0x3;
	s3 =	simm.s32 $0x1;
	v4 =	vor.u32 s0, v1  }
0x261: {  	[tilespmem:s28], [sflag:$0x5] =	stream.linear.gather [hbm4b:s1+s0], $0x800, $0x38;
	v5 =	vor.u32 s26, v1;
	[tilespmem:$0x6100] =	vst v63  }
0x262: {  	s13 =	simm.s32 $0x7;
	v6 =	vor.u32 s3, v1;
	_ =	swait.ge [sflag:s29], $0x800  }
0x263: {  	s7 =	simm.s32 $0x2;
	v12 =	vor.u32 s13, v1;
	[sflag:s29] =	ssyncset.done $0x0  }
0x264: {  	s12 =	simm.s32 $0x4;
	v7 =	vor.u32 s7, v1;
	[sflag:s29] =	ssyncadd.s32 $0xFFFFF800  }
0x265: {  	s15 =	simm.s32 $0x5;
	v8 =	vor.u32 s12, v1;
	v4 =	vld.idx.msk [tilespmem:v4+s28+$0x0], $0xffff  }
0x266: {  	s16 =	simm.s32 $0x6;
	v9 =	vor.u32 s15, v1;
	v5 =	vld.idx.msk [tilespmem:v5+s28+$0x0], $0xffff  }
0x267: {  	s23 =	simm.s32 $0xB;
	v10 =	vor.u32 s16, v1;
	v6 =	vld.idx.msk [tilespmem:v6+s28+$0x0], $0xffff  }
0x268: {  	v17 =	vor.u32 s23, v1;
	v12 =	vld.idx.msk [tilespmem:v12+s28+$0x0], $0xffff  }
0x269: {  	v11 =	vor.u32 s26, v3;
	v7 =	vld.idx.msk [tilespmem:v7+s28+$0x0], $0xffff  }
0x26a: {  	v13 =	vor.u32 s3, v3;
	v8 =	vld.idx.msk [tilespmem:v8+s28+$0x0], $0xffff  }
0x26b: {  	s3 =	simm.s32 $0x4840;
	v14 =	vor.u32 s7, v3;
	v9 =	vld.idx.msk [tilespmem:v9+s28+$0x0], $0xffff  }
0x26c: {  	s1 =	simm.s32 $0x8;
	v15 =	vor.u32 s0, v3;
	v19 =	vor.u32 s15, v3;
	s15 =	simm.s32 $0x48C0;
	v10 =	vld.idx.msk [tilespmem:v10+s28+$0x0], $0xffff;
	[tilespmem:s3+$0x20] =	vst v5  }
0x26d: {  	s14 =	simm.s32 $0x9;
	v5 =	vor.u32 s1, v1;
	[tilespmem:s15+$0x20] =	vst v12;
	v12 =	vld.idx.msk [tilespmem:v17+s28+$0x0], $0xffff  }
0x26e: {  	s8 =	simm.s32 $0xA;
	[tilespmem:s3+$0xFFFFFFE0] =	vst v6;
	v6 =	vor.u32 s14, v1;
	v11 =	vld.idx.msk [tilespmem:v11+s28+$0x0], $0xffff  }
0x26f: {  	[tilespmem:s3+$0x0] =	vst v7;
	v7 =	vor.u32 s8, v1;
	v18 =	vld.idx.msk [tilespmem:v13+s28+$0x0], $0xffff  }
0x270: {  	[tilespmem:s3+$0xFFFFFFC0] =	vst v4;
	v13 =	vor.u32 s13, v3;
	v16 =	vld.idx.msk [tilespmem:v14+s28+$0x0], $0xffff  }
0x271: {  	v15 =	vld.idx.msk [tilespmem:v15+s28+$0x0], $0xffff  }
0x272: {  	v20 =	vor.u32 s16, v3;
	v4 =	vld.idx.msk [tilespmem:v5+s28+$0x0], $0xffff  }
0x273: {  	s0 =	simm.s32 $0xC;
	[tilespmem:s15+$0xFFFFFFE0] =	vst v9;
	s13 =	simm.s32 $0x60;
	v14 =	vor.u32 s12, v3;
	v6 =	vld.idx.msk [tilespmem:v6+s28+$0x0], $0xffff  }
0x274: {  	s7 =	simm.s32 $0xD;
	[tilespmem:s15+$0x0] =	vst v10;
	s30 =	sor.u32 $0x70, s13;
	v5 =	vld.idx.msk [tilespmem:v7+s28+$0x0], $0xffff;
	v7 =	vor.u32 s0, v1  }
0x275: {  	s31 =	simm.s32 $0x20;
	s12 =	simm.s32 $0xE;
	[tilespmem:s30+$0x4800] =	vst v11;
	v9 =	vld.idx.msk [tilespmem:v13+s28+$0x0], $0xffff;
	v11 =	vor.u32 s7, v1  }
0x276: {  	s17 =	simm.s32 $0x40;
	s18 =	simm.s32 $0x10;
	s16 =	sor.u32 $0x30, s31;
	[tilespmem:s15+$0xFFFFFFC0] =	vst v8;
	v10 =	vld.idx.msk [tilespmem:v19+s28+$0x0], $0xffff;
	v13 =	vor.u32 s12, v1  }
0x277: {  	s21 =	sor.u32 $0x50, s17;
	s17 =	simm.s32 $0xF;
	v17 =	vor.u32 s23, v3;
	v8 =	vld.idx.msk [tilespmem:v20+s28+$0x0], $0xffff;
	[tilespmem:s16+$0x4800] =	vst v18;
	s16 =	simm.s32 $0x48C0  }
.LBB2_43:
0x278: {  	p2 =	slt.u32 s18, $0x3C;
	v18 =	vor.u32 s17, v1;
	v19 =	vld.idx.msk [tilespmem:v14+s28+$0x0], $0xffff;
	[tilespmem:s21+$0x4800] =	vst v16;
	s13 =	sadd.s32 $0x80, s13;
	v16 =	vmov v6  }
0x279: {  	v21 =	vor.u32 s14, v3;
	v20 =	vld.idx.msk [tilespmem:v7+s28+$0x0], $0xffff;
	s14 =	sadd.s32 $0xFFFFFFC0, s13;
	s21 =	sadd.s32 $0xFFFFFFE0, s13;
	s23 =	sor.u32 $0x70, s13;
	[tilespmem:s3+$0xFFFFFFD0] =	vst v15;
	v15 =	vmov v5  }
0x27a: {  	v22 =	vor.u32 s8, v3;
	s15 =	sadd.s32 $0x80, s15;
	v6 =	vld.idx.msk [tilespmem:v11+s28+$0x0], $0xffff;
	s24 =	sor.u32 $0x30, s14;
	s21 =	sor.u32 $0x50, s21;
	[tilespmem:s23+$0x4800] =	vst v9  }
.Ltmp32:
0x27b: {  	v14 =	vor.u32 s1, v3;
	s3 =	smov.u32 s16;
	s16 =	smov.u32 s15;
	v5 =	vld.idx.msk [tilespmem:v13+s28+$0x0], $0xffff;
	[tilespmem:s15+$0x20] =	vst v12;
	(pc) =	sbr.rel @p2 .LBB2_43-.Ltmp32, $4  }
0x27c: {  	s8 =	smov.u32 s12;
	v7 =	vor.u32 s18, v1;
	s14 =	smov.u32 s7;
	s7 =	sadd.s32 $0x1, s18;
	v23 =	vmov v10;
	[tilespmem:s15+$0xFFFFFFE0] =	vst v16;
	v9 =	vld.idx.msk [tilespmem:v17+s28+$0x0], $0xffff  }
0x27d: {  	s12 =	sadd.s32 $0x2, s18;
	s1 =	smov.u32 s0;
	s0 =	smov.u32 s18;
	v11 =	vor.u32 s7, v1;
	v16 =	vmov v8;
	v12 =	vld.idx.msk [tilespmem:v18+s28+$0x0], $0xffff;
	[tilespmem:s15+$0x0] =	vst v15  }
0x27e: {  	v13 =	vor.u32 s12, v1;
	v15 =	vmov v19;
	[tilespmem:s15+$0xFFFFFFC0] =	vst v4;
	v10 =	vld.idx.msk [tilespmem:v21+s28+$0x0], $0xffff  }
0x27f: {  	s18 =	sadd.s32 $0x4, s18;
	v17 =	vor.u32 s17, v3;
	s17 =	sadd.s32 $0x3, s0;
	v4 =	vmov v20;
	v8 =	vld.idx.msk [tilespmem:v22+s28+$0x0], $0xffff;
	[tilespmem:s24+$0x4800] =	vst v23  }
0x280: {  	[tilespmem:s21+$0x4800] =	vst v16  }
0x281: {  	[tilespmem:s3+$0xFFFFFFD0] =	vst v15;
	s3 =	sadd.s32 $0x80, s15  }
0x282: {  	[tilespmem:s3+$0xFFFFFFE0] =	vst v6  }
0x283: {  	s13 =	sadd.s32 $0x80, s13;
	[tilespmem:s3+$0x0] =	vst v5  }
0x284: {  	v51 =	vor.u32 s17, v1;
	v52 =	vld.idx.msk [tilespmem:v14+s28+$0x0], $0xffff;
	s18 =	sor.u32 $0x70, s13;
	[tilespmem:s3+$0xFFFFFFC0] =	vst v4  }
0x285: {  	v53 =	vor.u32 s14, v3;
	v56 =	vld.idx.msk [tilespmem:v13+s28+$0x0], $0xffff;
	s30 =	sadd.s32 $0xFFFFFFC0, s13;
	[tilespmem:s18+$0x4800] =	vst v9  }
0x286: {  	v55 =	vor.u32 s1, v3;
	v7 =	vld.idx.msk [tilespmem:v7+s28+$0x0], $0xffff;
	s31 =	sadd.s32 $0xFFFFFFE0, s13;
	[tilespmem:s3+$0x20] =	vst v12;
	s14 =	sor.u32 $0x30, s30  }
0x287: {  	v5 =	vor.u32 s8, v3;
	v4 =	vld.idx.msk [tilespmem:v11+s28+$0x0], $0xffff;
	s15 =	sor.u32 $0x50, s31;
	[tilespmem:s14+$0x4800] =	vst v10  }
0x288: {  	v60 =	vor.u32 s0, v3;
	v12 =	vld.idx.msk [tilespmem:v17+s28+$0x0], $0xffff;
	[tilespmem:s15+$0x4800] =	vst v8  }
0x289: {  	v58 =	vor.u32 s7, v3;
	s23 =	sadd.s32 $0x80, s3;
	v54 =	vld.idx.msk [tilespmem:v51+s28+$0x0], $0xffff;
	[tilespmem:s16+$0xFFFFFFD0] =	vst v52  }
0x28a: {  	v59 =	vor.u32 s12, v3;
	v6 =	vld.idx.msk [tilespmem:v53+s28+$0x0], $0xffff;
	[tilespmem:s23+$0x0] =	vst v56  }
0x28b: {  	v57 =	vor.u32 s17, v3;
	s18 =	sadd.s32 $0x80, s13;
	v11 =	vld.idx.msk [tilespmem:v55+s28+$0x0], $0xffff;
	[tilespmem:s23+$0xFFFFFFC0] =	vst v7  }
0x28c: {  	s21 =	sor.u32 $0x70, s18;
	v5 =	vld.idx.msk [tilespmem:v5+s28+$0x0], $0xffff;
	[tilespmem:s23+$0xFFFFFFE0] =	vst v4  }
0x28d: {  	s24 =	sadd.s32 $0xFFFFFFC0, s18;
	v63 =	vld.idx.msk [tilespmem:v60+s28+$0x0], $0xffff;
	[tilespmem:s21+$0x4800] =	vst v12  }
0x28e: {  	s0 =	sor.u32 $0x30, s24;
	v61 =	vld.idx.msk [tilespmem:v58+s28+$0x0], $0xffff;
	[tilespmem:s23+$0x20] =	vst v54  }
0x28f: {  	s25 =	sadd.s32 $0xFFFFFFE0, s18;
	v62 =	vld.idx.msk [tilespmem:v59+s28+$0x0], $0xffff;
	[tilespmem:s0+$0x4800] =	vst v6  }
0x290: {  	s26 =	sadd.s32 $0x80, s18;
	s8 =	sor.u32 $0x50, s25;
	[tilespmem:s3+$0xFFFFFFD0] =	vst v11;
	v4 =	vld.idx.msk [tilespmem:v57+s28+$0x0], $0xffff  }
0x291: {  	s1 =	sadd.s32 $0xFFFFFFC0, s26;
	[tilespmem:s8+$0x4800] =	vst v5  }
0x292: {  	s1 =	sor.u32 $0x30, s1;
	s0 =	sadd.s32 $0xFFFFFFE0, s26;
	[tilespmem:s23+$0xFFFFFFD0] =	vst v63  }
0x293: {  	s0 =	sor.u32 $0x50, s0;
	[tilespmem:s1+$0x4800] =	vst v61  }
0x294: {  	s30 =	sor.u32 $0x70, s26;
	[tilespmem:s0+$0x4800] =	vst v62  }
0x295: {  	[tilespmem:s30+$0x4800] =	vst v4  }
.Ltmp33:
0x296: {  	s31 =	simm.s32 $0x4800;
	s0 =	rddreg [dreg:$0x8];
	(pc) =	sbr.rel .LBB2_45-.Ltmp33, $4  }
0x297: {  	[hbm4b:s0+s5] =	stream.linear.scatter [tilespmem:s31], [sflag:$0x5], $0x800, $0x38;
	[tilespmem:$0x6100] =	vst v63  }
0x298: {  	_ =	swait.ge [sflag:s29], $0x800  }
0x299: {  	[sflag:s29] =	ssyncset.done $0x0  }
0x29a: {  	s1 =	rddreg [dreg:$0xa];
	[sflag:s29] =	ssyncadd.s32 $0xFFFFF800  }
.LBB2_31:
.Ltmp34:
0x29b: {  	(pc) =	sbr.rel .LBB2_40-.Ltmp34, $2  }
0x29c: {  	_ =	sdelay $0x2  }
0x29d: {  	s7 =	simm.s32 $0x60;
	s14 =	simm.s32 $0x2040  }
.LBB2_33:
.Ltmp35:
0x29e: {  	(pc) =	sbr.rel .LBB2_40-.Ltmp35, $4  }
0x29f: {  	_ = 	snop  }
0x2a0: {  	s8 =	simm.s32 $0x7;
	s7 =	simm.s32 $0x60;
	s18 =	simm.s32 $0x1  }
0x2a1: {  	s24 =	simm.s32 $0x2;
	s14 =	simm.s32 $0x2040;
	s15 =	simm.s32 $0x0  }
0x2a2: {  	s13 =	simm.s32 $0x5;
	s12 =	simm.s32 $0x6;
	s3 =	simm.s32 $0x4  }
.LBB2_35:
.Ltmp36:
0x2a3: {  	_ = 	snop;
	(pc) =	sbr.rel .LBB2_40-.Ltmp36, $3  }
0x2a4: {  	_ =	sdelay $0x1  }
0x2a5: {  	s7 =	simm.s32 $0x60;
	v16 =	vmov v14;
	v9 =	vmov v17  }
0x2a6: {  	v11 =	vmovc v19;
	s14 =	simm.s32 $0x2040;
	s17 =	simm.s32 $0x2040;
	s3 =	simm.s32 $0x8;
	v7 =	vmovc v22;
	v17 =	vmov v6;
	v19 =	vmov v5;
	v20 =	vmov v8  }
.LBB2_37:
.Ltmp37:
0x2a7: {  	(pc) =	sbr.rel .LBB2_40-.Ltmp37, $4  }
0x2a8: {  	_ = 	snop  }
0x2a9: {  	s8 =	simm.s32 $0xF;
	s7 =	simm.s32 $0x60;
	s18 =	simm.s32 $0x9  }
0x2aa: {  	s26 =	simm.s32 $0x2040;
	s24 =	simm.s32 $0xA;
	s15 =	simm.s32 $0x8  }
0x2ab: {  	v21 =	vmov v8;
	s17 =	simm.s32 $0x20C0;
	s13 =	simm.s32 $0xD;
	s12 =	simm.s32 $0xE  }
.LBB2_46:
0x2ac: {  	_ =	sfence.sel $0x180000  }
0x2ad: {  	[bflag:$0x0] =	sbarrier.arrive $0xFFFF  }
0x2ae: {  	_ =	strace $0x90000047  }
0x2af: {  	s0 =	stileid.u32;
	[bflag:$0x2] =	sbarrier.arrive $0xFFFF  }
0x2b0: {  	p0 =	sne.s32 s0, $0x0;
	s0 =	rddreg [dreg:$0x3]  }
0x2b1: {  	s0 =	sadd.s32 @!p0 $0x100000, s0  }
0x2b2: {  	[sflag:s0] =	ssyncadd.tile.s32 @!p0 $0x1;
	_ =	shalt  }
.Lfunc_end2:
_tile_overlayer_lowered:
.L_overlay_start_2:
0x2b3: {  	(tag) =	ssettag $0x2  }
0x2b4: {  	s0 =	rddreg [dreg:$0x0];
	s2 =	stileid.u32  }
0x2b5: {  	s1 =	rddreg [dreg:$0x1];
	p0 =	sne.s32 s2, $0x0  }
0x2b6: {  	s3 =	rddreg [dreg:$0x2];
	[bflag:$0x3] =	sbarrier.arrive $0xFFFF;
	s2 =	simm.s32 @!p0 $0x1C05  }
0x2b7: {  	[timem:s3], [sflag:s2] =	dma.local @!p0 [hbm:s0], s1  }
0x2b8: {  	s0 =	simm.s32 @!p0 $0x5  }
0x2b9: {  	_ =	swait.ge @!p0 [sflag:s0], s1  }
0x2ba: {  	s1 =	ssub.s32 @!p0 $0x0, s1;
	[sflag:s0] =	ssyncset.done @!p0 $0x0  }
0x2bb: {  	[sflag:s0] =	ssyncadd.s32 @!p0 s1  }
0x2bc: {  	[bflag:$0x3] =	sbarrier.arrive $0xFFFF  }
0x2bd: {  	_ =	shalt  }

</sc_bundles>
